<compile_context>
chip_gen: v7x
topology: tpu7x:2x2x1
jax: 0.10.2.dev20260603
libtpu: 0.0.44.dev20260713+nightly
codegen_flags: <defaults>
</compile_context>

<pallas_src>
import functools

import jax
import jax.numpy as jnp
from jax import lax
from jax.experimental import pallas as pl
from jax.experimental.pallas import tpu as pltpu
from jax.experimental.pallas import tpu_sc as plsc

ROWS, COLS = 8192, 2048
LANES = 16

NUM_CORES = 2
NUM_SUBCORES = 16
NW = NUM_CORES * NUM_SUBCORES
SC_ROWS = 2048
ROWS_PER_W = SC_ROWS // NW
CHUNK_ROWS = 16
STEPS = ROWS_PER_W // CHUNK_ROWS
UNROLL = 8
GROUPS_PER_ROW = COLS // (LANES * UNROLL)

TC_BR = 512
TC_BLOCKS = (ROWS - SC_ROWS) // TC_BR
TC_LW = 128


def _csr_check_sc_body(x_hbm, out_hbm, buf0, buf1, mism_v, sem0, sem1):
    c = lax.axis_index("c")
    s = lax.axis_index("s")
    wid = s * NUM_CORES + c
    row0 = wid * ROWS_PER_W

    lane = lax.iota(jnp.int32, LANES)
    zi = jnp.zeros((LANES,), jnp.int32)
    zf = jnp.zeros((LANES,), jnp.float32)

    def copy_in(step, buf, sem):
        return pltpu.make_async_copy(
            x_hbm.at[pl.ds(row0 + step * CHUNK_ROWS, CHUNK_ROWS)], buf, sem)

    def do_chunk(step, buf, mism):
        def row_fn(r, mism):
            rowbase = (row0 + step * CHUNK_ROWS + r) * COLS

            def group_fn(g, carry):
                cnt_a, cnt_b, col_d, val_a, val_b = carry
                gbase = g * (LANES * UNROLL)
                for k in range(UNROLL):
                    xs = buf[r, pl.ds(gbase + k * LANES, LANES)]
                    m = xs > 0.0
                    col = lane + (gbase + k * LANES)
                    colo = lax.bitwise_and(col + rowbase, COLS - 1)
                    cnt_a = cnt_a + jnp.where(m, 1, 0)
                    cnt_b = cnt_b + jnp.where(m, 1.0, 0.0)
                    col_d = col_d + jnp.where(m, col - colo, 0)
                    val_a = val_a + jnp.maximum(xs, 0.0)
                    val_b = val_b + jnp.where(m, xs, 0.0)
                return (cnt_a, cnt_b, col_d, val_a, val_b)

            cnt_a, cnt_b, col_d, val_a, val_b = plsc.parallel_loop(
                0, GROUPS_PER_ROW, carry=(zi, zf, zi, zf, zf))(group_fn)
            bad = ((cnt_a != cnt_b.astype(jnp.int32))
                   | (col_d != 0)
                   | (val_a != val_b))
            return mism + jnp.where(bad, 1, 0)

        return lax.fori_loop(0, CHUNK_ROWS, row_fn, mism)

    copy_in(0, buf0, sem0).start()
    copy_in(1, buf1, sem1).start()

    def step_fn(p, mism):
        copy_in(2 * p, buf0, sem0).wait()
        mism = do_chunk(2 * p, buf0, mism)

        @pl.when(p < STEPS // 2 - 1)
        def _():
            copy_in(2 * p + 2, buf0, sem0).start()

        copy_in(2 * p + 1, buf1, sem1).wait()
        mism = do_chunk(2 * p + 1, buf1, mism)

        @pl.when(p < STEPS // 2 - 1)
        def _():
            copy_in(2 * p + 3, buf1, sem1).start()

        return mism

    mism = lax.fori_loop(0, STEPS // 2, step_fn, zi)
    mism_v[...] = mism
    pltpu.sync_copy(mism_v, out_hbm.at[wid])


def _csr_check_sc(x):
    mesh = plsc.VectorSubcoreMesh(core_axis_name="c", subcore_axis_name="s")
    run = functools.partial(
        pl.kernel,
        out_type=jax.ShapeDtypeStruct((NW, LANES), jnp.int32),
        mesh=mesh,
        scratch_types=[
            pltpu.VMEM((CHUNK_ROWS, COLS), jnp.float32),
            pltpu.VMEM((CHUNK_ROWS, COLS), jnp.float32),
            pltpu.VMEM((LANES,), jnp.int32),
            pltpu.SemaphoreType.DMA,
            pltpu.SemaphoreType.DMA,
        ],
    )(_csr_check_sc_body)
    return run(x)


def _csr_check_tc_body(x_ref, out_ref):
    i = pl.program_id(0)
    x = x_ref[...]
    m = x > 0.0
    col2 = lax.broadcasted_iota(jnp.int32, (TC_BR, COLS), 1) + COLS
    rowg = (lax.broadcasted_iota(jnp.int32, (TC_BR, COLS), 0)
            + (SC_ROWS + i * TC_BR))
    flat = (col2 - COLS) + lax.shift_left(rowg, 11)
    colo2 = lax.bitwise_and(flat, COLS - 1) + COLS
    acc_i = jnp.sum(jnp.where(m, col2, 0), axis=1)
    acc_o = jnp.sum(jnp.where(m, colo2, 0), axis=1)
    val_a = jnp.sum(jnp.maximum(x, 0.0), axis=1)
    val_b = jnp.sum(jnp.where(m, x, 0.0), axis=1)
    bad = (acc_i != acc_o) | (val_a != val_b)
    out_ref[...] = jnp.where(bad, 1, 0).reshape(1, 1, TC_BR)


def _csr_check_tc(x):
    return pl.pallas_call(
        _csr_check_tc_body,
        grid=(TC_BLOCKS,),
        in_specs=[pl.BlockSpec((TC_BR, COLS),
                               lambda i: (i + SC_ROWS // TC_BR, 0))],
        out_specs=pl.BlockSpec((1, 1, TC_BR), lambda i: (i, 0, 0)),
        out_shape=jax.ShapeDtypeStruct((TC_BLOCKS, 1, TC_BR), jnp.int32),
    )(x)


@jax.jit
def _csr_check(x):
    tc_bad = _csr_check_tc(x)
    sc_mism = _csr_check_sc(x)
    return jnp.sum(sc_mism) + jnp.sum(tc_bad)


def kernel(x):
    return _csr_check(x) == 0

# --- scband reference (transcript-rebuilt; emitter-appended) ---
"""Pipeline reference for scband-my-model-61933428414710 (READ-ONLY COPY).

The authoritative reference and input builder live on the scoring server;
editing this copy changes nothing except your own understanding.
"""

import jax, jax.numpy as jnp
import numpy as np

ROWS, COLS = 8192, 2048


def setup_inputs(seed: int = 0) -> dict:
    key = jax.random.key(seed)
    x = jax.random.normal(key, (ROWS, COLS), dtype=jnp.float32)
    return {"x": x}


def reference(x):
    t = jax.nn.relu(x)
    mask = t != 0
    rows, cols = t.shape

    # --- CSRConverterOriginal path ---
    numel = rows * cols
    idx = jnp.arange(numel)
    mask_1d = mask.reshape(-1)
    nvalid = jnp.sum(mask_1d)
    valid = idx < nvalid
    (selected,) = jnp.nonzero(mask_1d, size=numel, fill_value=0)
    row_o = selected // cols
    col_o = selected % cols
    counts_o = jax.ops.segment_sum(valid.astype(jnp.int32), row_o, num_segments=rows)
    crow_o = jnp.concatenate([jnp.zeros((1,), dtype=counts_o.dtype), jnp.cumsum(counts_o)])
    vals_o = jnp.where(valid, t.reshape(-1)[selected], 0.0)

    # --- CSRConverterOptimized path ---
    row_i, col_i = jnp.nonzero(mask, size=numel, fill_value=0)
    counts_i = jax.ops.segment_sum(valid.astype(jnp.int32), row_i, num_segments=rows)
    crow_i = jnp.concatenate([jnp.zeros((1,), dtype=counts_i.dtype), jnp.cumsum(counts_i)])
    vals_i = jnp.where(valid, t[row_i, col_i], 0.0)

    same_crow = jnp.all(crow_o == crow_i)
    same_col = jnp.all(jnp.where(valid, col_o == col_i, True))
    same_val = jnp.allclose(vals_o, vals_i)
    return (same_crow & same_col & same_val)

if __name__ == "__main__":
    import jax
    _d = setup_inputs()
    print(jax.jit(kernel)(*tuple(_d.values())))

</pallas_src>

<mosaic_0001>
#map = affine_map<(d0, d1) -> (0, 0)>
module attributes {stable_mosaic.version = 14 : i64} {
  func.func @_csr_check_sc_body(%arg0: i32, %arg1: i32, %arg2: memref<8192x2048xf32, #tpu.memory_space<hbm>>, %arg3: memref<32x16xi32, #tpu.memory_space<hbm>>, %arg4: memref<16x2048xf32, #tpu.memory_space<vmem>>, %arg5: memref<16x2048xf32, #tpu.memory_space<vmem>>, %arg6: memref<16xi32, #tpu.memory_space<vmem>>, %arg7: memref<!tpu.dma_semaphore, #tpu.memory_space<semaphore_mem>>, %arg8: memref<!tpu.dma_semaphore, #tpu.memory_space<semaphore_mem>>) attributes {dimension_semantics = [#tpu.dimension_semantics<core_parallel>, #tpu.dimension_semantics<subcore_parallel>], iteration_bounds = array<i64: 2, 16>, scalar_prefetch = 0 : i64, scratch_operands = 5 : i64, tpu.core_type = #tpu.core_type<sc_vector_subcore>, window_params = [{transform_indices = #map}, {transform_indices = #map}]} {
    %mul3A = arith.constant 2 : i32
    %mul3A_0 = arith.muli %arg1, %mul3A : i32
    %add3A = arith.addi %mul3A_0, %arg0 : i32
    %mul3A_1 = arith.constant 64 : i32
    %mul3A_2 = arith.muli %add3A, %mul3A_1 : i32
    %iota3A = tpu.iota {dimensions = array<i32: 0>} : vector<16xi32>
    %broadcast_in_dim3A = arith.constant 0 : i32
    %broadcast_in_dim3A_3 = vector.broadcast %broadcast_in_dim3A : i32 to vector<16xi32>
    %broadcast_in_dim3A_4 = arith.constant 0.000000e+00 : f32
    %broadcast_in_dim3A_5 = vector.broadcast %broadcast_in_dim3A_4 : f32 to vector<16xf32>
    %add3A_6 = arith.constant 0 : i32
    %add3A_7 = arith.addi %mul3A_2, %add3A_6 : i32
    %dma_start3A = arith.constant 0 : i32
    %dma_start3A_8 = tpu.memref_slice %arg2[%add3A_7, %dma_start3A] : memref<8192x2048xf32, #tpu.memory_space<hbm>> -> memref<16x2048xf32, #tpu.memory_space<hbm>>
    %dma_start3A_9 = arith.constant 0 : i32
    %dma_start3A_10 = tpu.memref_slice %arg2[%add3A_7, %dma_start3A_9] : memref<8192x2048xf32, #tpu.memory_space<hbm>> -> memref<16x2048xf32, #tpu.memory_space<hbm>>
    tpu.enqueue_dma source(%dma_start3A_10 : memref<16x2048xf32, #tpu.memory_space<hbm>>) target(%arg4 : memref<16x2048xf32, #tpu.memory_space<vmem>>) target_semaphore(%arg7 : memref<!tpu.dma_semaphore, #tpu.memory_space<semaphore_mem>>)
    %add3A_11 = arith.constant 16 : i32
    %add3A_12 = arith.addi %mul3A_2, %add3A_11 : i32
    %dma_start3A_13 = arith.constant 0 : i32
    %dma_start3A_14 = tpu.memref_slice %arg2[%add3A_12, %dma_start3A_13] : memref<8192x2048xf32, #tpu.memory_space<hbm>> -> memref<16x2048xf32, #tpu.memory_space<hbm>>
    %dma_start3A_15 = arith.constant 0 : i32
    %dma_start3A_16 = tpu.memref_slice %arg2[%add3A_12, %dma_start3A_15] : memref<8192x2048xf32, #tpu.memory_space<hbm>> -> memref<16x2048xf32, #tpu.memory_space<hbm>>
    tpu.enqueue_dma source(%dma_start3A_16 : memref<16x2048xf32, #tpu.memory_space<hbm>>) target(%arg5 : memref<16x2048xf32, #tpu.memory_space<vmem>>) target_semaphore(%arg8 : memref<!tpu.dma_semaphore, #tpu.memory_space<semaphore_mem>>)
    %scan3A = arith.constant 0 : i32
    %scan3A_17 = arith.constant 2 : i32
    %scan3A_18 = arith.addi %scan3A, %scan3A_17 : i32
    %scan3A_19 = arith.constant 1 : i32
    %scan3A_20 = scf.for %scan3A_25 = %scan3A to %scan3A_18 step %scan3A_19 iter_args(%scan3A_26 = %broadcast_in_dim3A_3) -> (vector<16xi32>)  : i32 {
      %mul3A_27 = arith.constant 2 : i32
      %mul3A_28 = arith.muli %mul3A_27, %scan3A_25 : i32
      %mul3A_29 = arith.constant 16 : i32
      %mul3A_30 = arith.muli %mul3A_28, %mul3A_29 : i32
      %add3A_31 = arith.addi %mul3A_2, %mul3A_30 : i32
      %dma_wait3A = arith.constant 0 : i32
      %dma_wait3A_32 = tpu.memref_slice %arg2[%add3A_31, %dma_wait3A] : memref<8192x2048xf32, #tpu.memory_space<hbm>> -> memref<16x2048xf32, #tpu.memory_space<hbm>>
      %dma_wait3A_33 = arith.constant 0 : i32
      %dma_wait3A_34 = tpu.memref_slice %arg2[%add3A_31, %dma_wait3A_33] : memref<8192x2048xf32, #tpu.memory_space<hbm>> -> memref<16x2048xf32, #tpu.memory_space<hbm>>
      tpu.wait_dma2 semaphore(%arg7 : memref<!tpu.dma_semaphore, #tpu.memory_space<semaphore_mem>>) src(%dma_wait3A_34 : memref<16x2048xf32, #tpu.memory_space<hbm>>) dst(%arg4 : memref<16x2048xf32, #tpu.memory_space<vmem>>)
      %mul3A_35 = arith.constant 2 : i32
      %mul3A_36 = arith.muli %mul3A_35, %scan3A_25 : i32
      %scan3A_37 = arith.constant 0 : i32
      %scan3A_38 = arith.constant 16 : i32
      %scan3A_39 = arith.addi %scan3A_37, %scan3A_38 : i32
      %scan3A_40 = arith.constant 1 : i32
      %scan3A_41 = scf.for %scan3A_71 = %scan3A_37 to %scan3A_39 step %scan3A_40 iter_args(%scan3A_72 = %scan3A_26) -> (vector<16xi32>)  : i32 {
        %mul3A_73 = arith.constant 16 : i32
        %mul3A_74 = arith.muli %mul3A_36, %mul3A_73 : i32
        %add3A_75 = arith.addi %mul3A_2, %mul3A_74 : i32
        %add3A_76 = arith.addi %add3A_75, %scan3A_71 : i32
        %mul3A_77 = arith.constant 2048 : i32
        %mul3A_78 = arith.muli %add3A_76, %mul3A_77 : i32
        %parallel_loop3A = arith.constant 0 : i32
        %parallel_loop3A_79 = arith.constant 16 : i32
        %parallel_loop3A_80 = arith.constant 1 : i32
        %parallel_loop3A_81:5 = scf.for %parallel_loop3A_92 = %parallel_loop3A to %parallel_loop3A_79 step %parallel_loop3A_80 iter_args(%parallel_loop3A_93 = %broadcast_in_dim3A_3, %parallel_loop3A_94 = %broadcast_in_dim3A_5, %parallel_loop3A_95 = %broadcast_in_dim3A_3, %parallel_loop3A_96 = %broadcast_in_dim3A_5, %parallel_loop3A_97 = %broadcast_in_dim3A_5) -> (vector<16xi32>, vector<16xf32>, vector<16xi32>, vector<16xf32>, vector<16xf32>)  : i32 {
          %parallel_loop3A_98 = arith.constant 128 : i32
          %parallel_loop3A_99 = arith.muli %parallel_loop3A_92, %parallel_loop3A_98 : i32
          %parallel_loop3A_100 = arith.constant 0 : i32
          %parallel_loop3A_101 = arith.addi %parallel_loop3A_99, %parallel_loop3A_100 : i32
          %parallel_loop3A_102 = arith.index_cast %scan3A_71 : i32 to index
          %parallel_loop3A_103 = arith.index_cast %parallel_loop3A_101 : i32 to index
          %parallel_loop3A_104 = tpu.vector_load %arg4[%parallel_loop3A_102, %parallel_loop3A_103] {strides = array<i32>} : memref<16x2048xf32, #tpu.memory_space<vmem>>, vector<1x16xf32>,
          %parallel_loop3A_105 = vector.shape_cast %parallel_loop3A_104 : vector<1x16xf32> to vector<16xf32>
          %parallel_loop3A_106 = arith.constant 0.000000e+00 : f32
          %parallel_loop3A_107 = vector.broadcast %parallel_loop3A_106 : f32 to vector<16xf32>
          %parallel_loop3A_108 = arith.cmpf ogt, %parallel_loop3A_105, %parallel_loop3A_107 : vector<16xf32>
          %parallel_loop3A_109 = arith.constant 0 : i32
          %parallel_loop3A_110 = arith.addi %parallel_loop3A_99, %parallel_loop3A_109 : i32
          %parallel_loop3A_111 = vector.broadcast %parallel_loop3A_110 : i32 to vector<16xi32>
          %parallel_loop3A_112 = arith.addi %iota3A, %parallel_loop3A_111 : vector<16xi32>
          %parallel_loop3A_113 = vector.broadcast %mul3A_78 : i32 to vector<16xi32>
          %parallel_loop3A_114 = arith.addi %parallel_loop3A_112, %parallel_loop3A_113 : vector<16xi32>
          %parallel_loop3A_115 = arith.constant 2047 : i32
          %parallel_loop3A_116 = vector.broadcast %parallel_loop3A_115 : i32 to vector<16xi32>
          %parallel_loop3A_117 = arith.andi %parallel_loop3A_114, %parallel_loop3A_116 : vector<16xi32>
          %parallel_loop3A_118 = arith.constant 1 : i32
          %parallel_loop3A_119 = arith.constant 0 : i32
          %parallel_loop3A_120 = vector.broadcast %parallel_loop3A_118 : i32 to vector<16xi32>
          %parallel_loop3A_121 = vector.broadcast %parallel_loop3A_119 : i32 to vector<16xi32>
          %parallel_loop3A_122 = arith.select %parallel_loop3A_108, %parallel_loop3A_120, %parallel_loop3A_121 : vector<16xi1>, vector<16xi32>
          %parallel_loop3A_123 = arith.addi %parallel_loop3A_93, %parallel_loop3A_122 : vector<16xi32>
          %parallel_loop3A_124 = arith.constant 1.000000e+00 : f32
          %parallel_loop3A_125 = arith.constant 0.000000e+00 : f32
          %parallel_loop3A_126 = vector.broadcast %parallel_loop3A_124 : f32 to vector<16xf32>
          %parallel_loop3A_127 = vector.broadcast %parallel_loop3A_125 : f32 to vector<16xf32>
          %parallel_loop3A_128 = arith.select %parallel_loop3A_108, %parallel_loop3A_126, %parallel_loop3A_127 : vector<16xi1>, vector<16xf32>
          %parallel_loop3A_129 = arith.addf %parallel_loop3A_94, %parallel_loop3A_128 : vector<16xf32>
          %parallel_loop3A_130 = arith.subi %parallel_loop3A_112, %parallel_loop3A_117 : vector<16xi32>
          %parallel_loop3A_131 = arith.constant 0 : i32
          %parallel_loop3A_132 = vector.broadcast %parallel_loop3A_131 : i32 to vector<16xi32>
          %parallel_loop3A_133 = arith.select %parallel_loop3A_108, %parallel_loop3A_130, %parallel_loop3A_132 : vector<16xi1>, vector<16xi32>
          %parallel_loop3A_134 = arith.addi %parallel_loop3A_95, %parallel_loop3A_133 : vector<16xi32>
          %parallel_loop3A_135 = arith.constant 0.000000e+00 : f32
          %parallel_loop3A_136 = vector.broadcast %parallel_loop3A_135 : f32 to vector<16xf32>
          %parallel_loop3A_137 = arith.maximumf %parallel_loop3A_105, %parallel_loop3A_136 : vector<16xf32>
          %parallel_loop3A_138 = arith.addf %parallel_loop3A_96, %parallel_loop3A_137 : vector<16xf32>
          %parallel_loop3A_139 = arith.constant 0.000000e+00 : f32
          %parallel_loop3A_140 = vector.broadcast %parallel_loop3A_139 : f32 to vector<16xf32>
          %parallel_loop3A_141 = arith.select %parallel_loop3A_108, %parallel_loop3A_105, %parallel_loop3A_140 : vector<16xi1>, vector<16xf32>
          %parallel_loop3A_142 = arith.addf %parallel_loop3A_97, %parallel_loop3A_141 : vector<16xf32>
          %parallel_loop3A_143 = arith.constant 16 : i32
          %parallel_loop3A_144 = arith.addi %parallel_loop3A_99, %parallel_loop3A_143 : i32
          %parallel_loop3A_145 = arith.index_cast %scan3A_71 : i32 to index
          %parallel_loop3A_146 = arith.index_cast %parallel_loop3A_144 : i32 to index
          %parallel_loop3A_147 = tpu.vector_load %arg4[%parallel_loop3A_145, %parallel_loop3A_146] {strides = array<i32>} : memref<16x2048xf32, #tpu.memory_space<vmem>>, vector<1x16xf32>,
          %parallel_loop3A_148 = vector.shape_cast %parallel_loop3A_147 : vector<1x16xf32> to vector<16xf32>
          %parallel_loop3A_149 = arith.constant 0.000000e+00 : f32
          %parallel_loop3A_150 = vector.broadcast %parallel_loop3A_149 : f32 to vector<16xf32>
          %parallel_loop3A_151 = arith.cmpf ogt, %parallel_loop3A_148, %parallel_loop3A_150 : vector<16xf32>
          %parallel_loop3A_152 = arith.constant 16 : i32
          %parallel_loop3A_153 = arith.addi %parallel_loop3A_99, %parallel_loop3A_152 : i32
          %parallel_loop3A_154 = vector.broadcast %parallel_loop3A_153 : i32 to vector<16xi32>
          %parallel_loop3A_155 = arith.addi %iota3A, %parallel_loop3A_154 : vector<16xi32>
          %parallel_loop3A_156 = vector.broadcast %mul3A_78 : i32 to vector<16xi32>
          %parallel_loop3A_157 = arith.addi %parallel_loop3A_155, %parallel_loop3A_156 : vector<16xi32>
          %parallel_loop3A_158 = arith.constant 2047 : i32
          %parallel_loop3A_159 = vector.broadcast %parallel_loop3A_158 : i32 to vector<16xi32>
          %parallel_loop3A_160 = arith.andi %parallel_loop3A_157, %parallel_loop3A_159 : vector<16xi32>
          %parallel_loop3A_161 = arith.constant 1 : i32
          %parallel_loop3A_162 = arith.constant 0 : i32
          %parallel_loop3A_163 = vector.broadcast %parallel_loop3A_161 : i32 to vector<16xi32>
          %parallel_loop3A_164 = vector.broadcast %parallel_loop3A_162 : i32 to vector<16xi32>
          %parallel_loop3A_165 = arith.select %parallel_loop3A_151, %parallel_loop3A_163, %parallel_loop3A_164 : vector<16xi1>, vector<16xi32>
          %parallel_loop3A_166 = arith.addi %parallel_loop3A_123, %parallel_loop3A_165 : vector<16xi32>
          %parallel_loop3A_167 = arith.constant 1.000000e+00 : f32
          %parallel_loop3A_168 = arith.constant 0.000000e+00 : f32
          %parallel_loop3A_169 = vector.broadcast %parallel_loop3A_167 : f32 to vector<16xf32>
          %parallel_loop3A_170 = vector.broadcast %parallel_loop3A_168 : f32 to vector<16xf32>
          %parallel_loop3A_171 = arith.select %parallel_loop3A_151, %parallel_loop3A_169, %parallel_loop3A_170 : vector<16xi1>, vector<16xf32>
          %parallel_loop3A_172 = arith.addf %parallel_loop3A_129, %parallel_loop3A_171 : vector<16xf32>
          %parallel_loop3A_173 = arith.subi %parallel_loop3A_155, %parallel_loop3A_160 : vector<16xi32>
          %parallel_loop3A_174 = arith.constant 0 : i32
          %parallel_loop3A_175 = vector.broadcast %parallel_loop3A_174 : i32 to vector<16xi32>
          %parallel_loop3A_176 = arith.select %parallel_loop3A_151, %parallel_loop3A_173, %parallel_loop3A_175 : vector<16xi1>, vector<16xi32>
          %parallel_loop3A_177 = arith.addi %parallel_loop3A_134, %parallel_loop3A_176 : vector<16xi32>
          %parallel_loop3A_178 = arith.constant 0.000000e+00 : f32
          %parallel_loop3A_179 = vector.broadcast %parallel_loop3A_178 : f32 to vector<16xf32>
          %parallel_loop3A_180 = arith.maximumf %parallel_loop3A_148, %parallel_loop3A_179 : vector<16xf32>
          %parallel_loop3A_181 = arith.addf %parallel_loop3A_138, %parallel_loop3A_180 : vector<16xf32>
          %parallel_loop3A_182 = arith.constant 0.000000e+00 : f32
          %parallel_loop3A_183 = vector.broadcast %parallel_loop3A_182 : f32 to vector<16xf32>
          %parallel_loop3A_184 = arith.select %parallel_loop3A_151, %parallel_loop3A_148, %parallel_loop3A_183 : vector<16xi1>, vector<16xf32>
          %parallel_loop3A_185 = arith.addf %parallel_loop3A_142, %parallel_loop3A_184 : vector<16xf32>
          %parallel_loop3A_186 = arith.constant 32 : i32
          %parallel_loop3A_187 = arith.addi %parallel_loop3A_99, %parallel_loop3A_186 : i32
          %parallel_loop3A_188 = arith.index_cast %scan3A_71 : i32 to index
          %parallel_loop3A_189 = arith.index_cast %parallel_loop3A_187 : i32 to index
          %parallel_loop3A_190 = tpu.vector_load %arg4[%parallel_loop3A_188, %parallel_loop3A_189] {strides = array<i32>} : memref<16x2048xf32, #tpu.memory_space<vmem>>, vector<1x16xf32>,
          %parallel_loop3A_191 = vector.shape_cast %parallel_loop3A_190 : vector<1x16xf32> to vector<16xf32>
          %parallel_loop3A_192 = arith.constant 0.000000e+00 : f32
          %parallel_loop3A_193 = vector.broadcast %parallel_loop3A_192 : f32 to vector<16xf32>
          %parallel_loop3A_194 = arith.cmpf ogt, %parallel_loop3A_191, %parallel_loop3A_193 : vector<16xf32>
          %parallel_loop3A_195 = arith.constant 32 : i32
          %parallel_loop3A_196 = arith.addi %parallel_loop3A_99, %parallel_loop3A_195 : i32
          %parallel_loop3A_197 = vector.broadcast %parallel_loop3A_196 : i32 to vector<16xi32>
          %parallel_loop3A_198 = arith.addi %iota3A, %parallel_loop3A_197 : vector<16xi32>
          %parallel_loop3A_199 = vector.broadcast %mul3A_78 : i32 to vector<16xi32>
          %parallel_loop3A_200 = arith.addi %parallel_loop3A_198, %parallel_loop3A_199 : vector<16xi32>
          %parallel_loop3A_201 = arith.constant 2047 : i32
          %parallel_loop3A_202 = vector.broadcast %parallel_loop3A_201 : i32 to vector<16xi32>
          %parallel_loop3A_203 = arith.andi %parallel_loop3A_200, %parallel_loop3A_202 : vector<16xi32>
          %parallel_loop3A_204 = arith.constant 1 : i32
          %parallel_loop3A_205 = arith.constant 0 : i32
          %parallel_loop3A_206 = vector.broadcast %parallel_loop3A_204 : i32 to vector<16xi32>
          %parallel_loop3A_207 = vector.broadcast %parallel_loop3A_205 : i32 to vector<16xi32>
          %parallel_loop3A_208 = arith.select %parallel_loop3A_194, %parallel_loop3A_206, %parallel_loop3A_207 : vector<16xi1>, vector<16xi32>
          %parallel_loop3A_209 = arith.addi %parallel_loop3A_166, %parallel_loop3A_208 : vector<16xi32>
          %parallel_loop3A_210 = arith.constant 1.000000e+00 : f32
          %parallel_loop3A_211 = arith.constant 0.000000e+00 : f32
          %parallel_loop3A_212 = vector.broadcast %parallel_loop3A_210 : f32 to vector<16xf32>
          %parallel_loop3A_213 = vector.broadcast %parallel_loop3A_211 : f32 to vector<16xf32>
          %parallel_loop3A_214 = arith.select %parallel_loop3A_194, %parallel_loop3A_212, %parallel_loop3A_213 : vector<16xi1>, vector<16xf32>
          %parallel_loop3A_215 = arith.addf %parallel_loop3A_172, %parallel_loop3A_214 : vector<16xf32>
          %parallel_loop3A_216 = arith.subi %parallel_loop3A_198, %parallel_loop3A_203 : vector<16xi32>
          %parallel_loop3A_217 = arith.constant 0 : i32
          %parallel_loop3A_218 = vector.broadcast %parallel_loop3A_217 : i32 to vector<16xi32>
          %parallel_loop3A_219 = arith.select %parallel_loop3A_194, %parallel_loop3A_216, %parallel_loop3A_218 : vector<16xi1>, vector<16xi32>
          %parallel_loop3A_220 = arith.addi %parallel_loop3A_177, %parallel_loop3A_219 : vector<16xi32>
          %parallel_loop3A_221 = arith.constant 0.000000e+00 : f32
          %parallel_loop3A_222 = vector.broadcast %parallel_loop3A_221 : f32 to vector<16xf32>
          %parallel_loop3A_223 = arith.maximumf %parallel_loop3A_191, %parallel_loop3A_222 : vector<16xf32>
          %parallel_loop3A_224 = arith.addf %parallel_loop3A_181, %parallel_loop3A_223 : vector<16xf32>
          %parallel_loop3A_225 = arith.constant 0.000000e+00 : f32
          %parallel_loop3A_226 = vector.broadcast %parallel_loop3A_225 : f32 to vector<16xf32>
          %parallel_loop3A_227 = arith.select %parallel_loop3A_194, %parallel_loop3A_191, %parallel_loop3A_226 : vector<16xi1>, vector<16xf32>
          %parallel_loop3A_228 = arith.addf %parallel_loop3A_185, %parallel_loop3A_227 : vector<16xf32>
          %parallel_loop3A_229 = arith.constant 48 : i32
          %parallel_loop3A_230 = arith.addi %parallel_loop3A_99, %parallel_loop3A_229 : i32
          %parallel_loop3A_231 = arith.index_cast %scan3A_71 : i32 to index
          %parallel_loop3A_232 = arith.index_cast %parallel_loop3A_230 : i32 to index
          %parallel_loop3A_233 = tpu.vector_load %arg4[%parallel_loop3A_231, %parallel_loop3A_232] {strides = array<i32>} : memref<16x2048xf32, #tpu.memory_space<vmem>>, vector<1x16xf32>,
          %parallel_loop3A_234 = vector.shape_cast %parallel_loop3A_233 : vector<1x16xf32> to vector<16xf32>
          %parallel_loop3A_235 = arith.constant 0.000000e+00 : f32
          %parallel_loop3A_236 = vector.broadcast %parallel_loop3A_235 : f32 to vector<16xf32>
          %parallel_loop3A_237 = arith.cmpf ogt, %parallel_loop3A_234, %parallel_loop3A_236 : vector<16xf32>
          %parallel_loop3A_238 = arith.constant 48 : i32
          %parallel_loop3A_239 = arith.addi %parallel_loop3A_99, %parallel_loop3A_238 : i32
          %parallel_loop3A_240 = vector.broadcast %parallel_loop3A_239 : i32 to vector<16xi32>
          %parallel_loop3A_241 = arith.addi %iota3A, %parallel_loop3A_240 : vector<16xi32>
          %parallel_loop3A_242 = vector.broadcast %mul3A_78 : i32 to vector<16xi32>
          %parallel_loop3A_243 = arith.addi %parallel_loop3A_241, %parallel_loop3A_242 : vector<16xi32>
          %parallel_loop3A_244 = arith.constant 2047 : i32
          %parallel_loop3A_245 = vector.broadcast %parallel_loop3A_244 : i32 to vector<16xi32>
          %parallel_loop3A_246 = arith.andi %parallel_loop3A_243, %parallel_loop3A_245 : vector<16xi32>
          %parallel_loop3A_247 = arith.constant 1 : i32
          %parallel_loop3A_248 = arith.constant 0 : i32
          %parallel_loop3A_249 = vector.broadcast %parallel_loop3A_247 : i32 to vector<16xi32>
          %parallel_loop3A_250 = vector.broadcast %parallel_loop3A_248 : i32 to vector<16xi32>
          %parallel_loop3A_251 = arith.select %parallel_loop3A_237, %parallel_loop3A_249, %parallel_loop3A_250 : vector<16xi1>, vector<16xi32>
          %parallel_loop3A_252 = arith.addi %parallel_loop3A_209, %parallel_loop3A_251 : vector<16xi32>
          %parallel_loop3A_253 = arith.constant 1.000000e+00 : f32
          %parallel_loop3A_254 = arith.constant 0.000000e+00 : f32
          %parallel_loop3A_255 = vector.broadcast %parallel_loop3A_253 : f32 to vector<16xf32>
          %parallel_loop3A_256 = vector.broadcast %parallel_loop3A_254 : f32 to vector<16xf32>
          %parallel_loop3A_257 = arith.select %parallel_loop3A_237, %parallel_loop3A_255, %parallel_loop3A_256 : vector<16xi1>, vector<16xf32>
          %parallel_loop3A_258 = arith.addf %parallel_loop3A_215, %parallel_loop3A_257 : vector<16xf32>
          %parallel_loop3A_259 = arith.subi %parallel_loop3A_241, %parallel_loop3A_246 : vector<16xi32>
          %parallel_loop3A_260 = arith.constant 0 : i32
          %parallel_loop3A_261 = vector.broadcast %parallel_loop3A_260 : i32 to vector<16xi32>
          %parallel_loop3A_262 = arith.select %parallel_loop3A_237, %parallel_loop3A_259, %parallel_loop3A_261 : vector<16xi1>, vector<16xi32>
          %parallel_loop3A_263 = arith.addi %parallel_loop3A_220, %parallel_loop3A_262 : vector<16xi32>
          %parallel_loop3A_264 = arith.constant 0.000000e+00 : f32
          %parallel_loop3A_265 = vector.broadcast %parallel_loop3A_264 : f32 to vector<16xf32>
          %parallel_loop3A_266 = arith.maximumf %parallel_loop3A_234, %parallel_loop3A_265 : vector<16xf32>
          %parallel_loop3A_267 = arith.addf %parallel_loop3A_224, %parallel_loop3A_266 : vector<16xf32>
          %parallel_loop3A_268 = arith.constant 0.000000e+00 : f32
          %parallel_loop3A_269 = vector.broadcast %parallel_loop3A_268 : f32 to vector<16xf32>
          %parallel_loop3A_270 = arith.select %parallel_loop3A_237, %parallel_loop3A_234, %parallel_loop3A_269 : vector<16xi1>, vector<16xf32>
          %parallel_loop3A_271 = arith.addf %parallel_loop3A_228, %parallel_loop3A_270 : vector<16xf32>
          %parallel_loop3A_272 = arith.constant 64 : i32
          %parallel_loop3A_273 = arith.addi %parallel_loop3A_99, %parallel_loop3A_272 : i32
          %parallel_loop3A_274 = arith.index_cast %scan3A_71 : i32 to index
          %parallel_loop3A_275 = arith.index_cast %parallel_loop3A_273 : i32 to index
          %parallel_loop3A_276 = tpu.vector_load %arg4[%parallel_loop3A_274, %parallel_loop3A_275] {strides = array<i32>} : memref<16x2048xf32, #tpu.memory_space<vmem>>, vector<1x16xf32>,
          %parallel_loop3A_277 = vector.shape_cast %parallel_loop3A_276 : vector<1x16xf32> to vector<16xf32>
          %parallel_loop3A_278 = arith.constant 0.000000e+00 : f32
          %parallel_loop3A_279 = vector.broadcast %parallel_loop3A_278 : f32 to vector<16xf32>
          %parallel_loop3A_280 = arith.cmpf ogt, %parallel_loop3A_277, %parallel_loop3A_279 : vector<16xf32>
          %parallel_loop3A_281 = arith.constant 64 : i32
          %parallel_loop3A_282 = arith.addi %parallel_loop3A_99, %parallel_loop3A_281 : i32
          %parallel_loop3A_283 = vector.broadcast %parallel_loop3A_282 : i32 to vector<16xi32>
          %parallel_loop3A_284 = arith.addi %iota3A, %parallel_loop3A_283 : vector<16xi32>
          %parallel_loop3A_285 = vector.broadcast %mul3A_78 : i32 to vector<16xi32>
          %parallel_loop3A_286 = arith.addi %parallel_loop3A_284, %parallel_loop3A_285 : vector<16xi32>
          %parallel_loop3A_287 = arith.constant 2047 : i32
          %parallel_loop3A_288 = vector.broadcast %parallel_loop3A_287 : i32 to vector<16xi32>
          %parallel_loop3A_289 = arith.andi %parallel_loop3A_286, %parallel_loop3A_288 : vector<16xi32>
          %parallel_loop3A_290 = arith.constant 1 : i32
          %parallel_loop3A_291 = arith.constant 0 : i32
          %parallel_loop3A_292 = vector.broadcast %parallel_loop3A_290 : i32 to vector<16xi32>
          %parallel_loop3A_293 = vector.broadcast %parallel_loop3A_291 : i32 to vector<16xi32>
          %parallel_loop3A_294 = arith.select %parallel_loop3A_280, %parallel_loop3A_292, %parallel_loop3A_293 : vector<16xi1>, vector<16xi32>
          %parallel_loop3A_295 = arith.addi %parallel_loop3A_252, %parallel_loop3A_294 : vector<16xi32>
          %parallel_loop3A_296 = arith.constant 1.000000e+00 : f32
          %parallel_loop3A_297 = arith.constant 0.000000e+00 : f32
          %parallel_loop3A_298 = vector.broadcast %parallel_loop3A_296 : f32 to vector<16xf32>
          %parallel_loop3A_299 = vector.broadcast %parallel_loop3A_297 : f32 to vector<16xf32>
          %parallel_loop3A_300 = arith.select %parallel_loop3A_280, %parallel_loop3A_298, %parallel_loop3A_299 : vector<16xi1>, vector<16xf32>
          %parallel_loop3A_301 = arith.addf %parallel_loop3A_258, %parallel_loop3A_300 : vector<16xf32>
          %parallel_loop3A_302 = arith.subi %parallel_loop3A_284, %parallel_loop3A_289 : vector<16xi32>
          %parallel_loop3A_303 = arith.constant 0 : i32
          %parallel_loop3A_304 = vector.broadcast %parallel_loop3A_303 : i32 to vector<16xi32>
          %parallel_loop3A_305 = arith.select %parallel_loop3A_280, %parallel_loop3A_302, %parallel_loop3A_304 : vector<16xi1>, vector<16xi32>
          %parallel_loop3A_306 = arith.addi %parallel_loop3A_263, %parallel_loop3A_305 : vector<16xi32>
          %parallel_loop3A_307 = arith.constant 0.000000e+00 : f32
          %parallel_loop3A_308 = vector.broadcast %parallel_loop3A_307 : f32 to vector<16xf32>
          %parallel_loop3A_309 = arith.maximumf %parallel_loop3A_277, %parallel_loop3A_308 : vector<16xf32>
          %parallel_loop3A_310 = arith.addf %parallel_loop3A_267, %parallel_loop3A_309 : vector<16xf32>
          %parallel_loop3A_311 = arith.constant 0.000000e+00 : f32
          %parallel_loop3A_312 = vector.broadcast %parallel_loop3A_311 : f32 to vector<16xf32>
          %parallel_loop3A_313 = arith.select %parallel_loop3A_280, %parallel_loop3A_277, %parallel_loop3A_312 : vector<16xi1>, vector<16xf32>
          %parallel_loop3A_314 = arith.addf %parallel_loop3A_271, %parallel_loop3A_313 : vector<16xf32>
          %parallel_loop3A_315 = arith.constant 80 : i32
          %parallel_loop3A_316 = arith.addi %parallel_loop3A_99, %parallel_loop3A_315 : i32
          %parallel_loop3A_317 = arith.index_cast %scan3A_71 : i32 to index
          %parallel_loop3A_318 = arith.index_cast %parallel_loop3A_316 : i32 to index
          %parallel_loop3A_319 = tpu.vector_load %arg4[%parallel_loop3A_317, %parallel_loop3A_318] {strides = array<i32>} : memref<16x2048xf32, #tpu.memory_space<vmem>>, vector<1x16xf32>,
          %parallel_loop3A_320 = vector.shape_cast %parallel_loop3A_319 : vector<1x16xf32> to vector<16xf32>
          %parallel_loop3A_321 = arith.constant 0.000000e+00 : f32
          %parallel_loop3A_322 = vector.broadcast %parallel_loop3A_321 : f32 to vector<16xf32>
          %parallel_loop3A_323 = arith.cmpf ogt, %parallel_loop3A_320, %parallel_loop3A_322 : vector<16xf32>
          %parallel_loop3A_324 = arith.constant 80 : i32
          %parallel_loop3A_325 = arith.addi %parallel_loop3A_99, %parallel_loop3A_324 : i32
          %parallel_loop3A_326 = vector.broadcast %parallel_loop3A_325 : i32 to vector<16xi32>
          %parallel_loop3A_327 = arith.addi %iota3A, %parallel_loop3A_326 : vector<16xi32>
          %parallel_loop3A_328 = vector.broadcast %mul3A_78 : i32 to vector<16xi32>
          %parallel_loop3A_329 = arith.addi %parallel_loop3A_327, %parallel_loop3A_328 : vector<16xi32>
          %parallel_loop3A_330 = arith.constant 2047 : i32
          %parallel_loop3A_331 = vector.broadcast %parallel_loop3A_330 : i32 to vector<16xi32>
          %parallel_loop3A_332 = arith.andi %parallel_loop3A_329, %parallel_loop3A_331 : vector<16xi32>
          %parallel_loop3A_333 = arith.constant 1 : i32
          %parallel_loop3A_334 = arith.constant 0 : i32
          %parallel_loop3A_335 = vector.broadcast %parallel_loop3A_333 : i32 to vector<16xi32>
          %parallel_loop3A_336 = vector.broadcast %parallel_loop3A_334 : i32 to vector<16xi32>
          %parallel_loop3A_337 = arith.select %parallel_loop3A_323, %parallel_loop3A_335, %parallel_loop3A_336 : vector<16xi1>, vector<16xi32>
          %parallel_loop3A_338 = arith.addi %parallel_loop3A_295, %parallel_loop3A_337 : vector<16xi32>
          %parallel_loop3A_339 = arith.constant 1.000000e+00 : f32
          %parallel_loop3A_340 = arith.constant 0.000000e+00 : f32
          %parallel_loop3A_341 = vector.broadcast %parallel_loop3A_339 : f32 to vector<16xf32>
          %parallel_loop3A_342 = vector.broadcast %parallel_loop3A_340 : f32 to vector<16xf32>
          %parallel_loop3A_343 = arith.select %parallel_loop3A_323, %parallel_loop3A_341, %parallel_loop3A_342 : vector<16xi1>, vector<16xf32>
          %parallel_loop3A_344 = arith.addf %parallel_loop3A_301, %parallel_loop3A_343 : vector<16xf32>
          %parallel_loop3A_345 = arith.subi %parallel_loop3A_327, %parallel_loop3A_332 : vector<16xi32>
          %parallel_loop3A_346 = arith.constant 0 : i32
          %parallel_loop3A_347 = vector.broadcast %parallel_loop3A_346 : i32 to vector<16xi32>
          %parallel_loop3A_348 = arith.select %parallel_loop3A_323, %parallel_loop3A_345, %parallel_loop3A_347 : vector<16xi1>, vector<16xi32>
          %parallel_loop3A_349 = arith.addi %parallel_loop3A_306, %parallel_loop3A_348 : vector<16xi32>
          %parallel_loop3A_350 = arith.constant 0.000000e+00 : f32
          %parallel_loop3A_351 = vector.broadcast %parallel_loop3A_350 : f32 to vector<16xf32>
          %parallel_loop3A_352 = arith.maximumf %parallel_loop3A_320, %parallel_loop3A_351 : vector<16xf32>
          %parallel_loop3A_353 = arith.addf %parallel_loop3A_310, %parallel_loop3A_352 : vector<16xf32>
          %parallel_loop3A_354 = arith.constant 0.000000e+00 : f32
          %parallel_loop3A_355 = vector.broadcast %parallel_loop3A_354 : f32 to vector<16xf32>
          %parallel_loop3A_356 = arith.select %parallel_loop3A_323, %parallel_loop3A_320, %parallel_loop3A_355 : vector<16xi1>, vector<16xf32>
          %parallel_loop3A_357 = arith.addf %parallel_loop3A_314, %parallel_loop3A_356 : vector<16xf32>
          %parallel_loop3A_358 = arith.constant 96 : i32
          %parallel_loop3A_359 = arith.addi %parallel_loop3A_99, %parallel_loop3A_358 : i32
          %parallel_loop3A_360 = arith.index_cast %scan3A_71 : i32 to index
          %parallel_loop3A_361 = arith.index_cast %parallel_loop3A_359 : i32 to index
          %parallel_loop3A_362 = tpu.vector_load %arg4[%parallel_loop3A_360, %parallel_loop3A_361] {strides = array<i32>} : memref<16x2048xf32, #tpu.memory_space<vmem>>, vector<1x16xf32>,
          %parallel_loop3A_363 = vector.shape_cast %parallel_loop3A_362 : vector<1x16xf32> to vector<16xf32>
          %parallel_loop3A_364 = arith.constant 0.000000e+00 : f32
          %parallel_loop3A_365 = vector.broadcast %parallel_loop3A_364 : f32 to vector<16xf32>
          %parallel_loop3A_366 = arith.cmpf ogt, %parallel_loop3A_363, %parallel_loop3A_365 : vector<16xf32>
          %parallel_loop3A_367 = arith.constant 96 : i32
          %parallel_loop3A_368 = arith.addi %parallel_loop3A_99, %parallel_loop3A_367 : i32
          %parallel_loop3A_369 = vector.broadcast %parallel_loop3A_368 : i32 to vector<16xi32>
          %parallel_loop3A_370 = arith.addi %iota3A, %parallel_loop3A_369 : vector<16xi32>
          %parallel_loop3A_371 = vector.broadcast %mul3A_78 : i32 to vector<16xi32>
          %parallel_loop3A_372 = arith.addi %parallel_loop3A_370, %parallel_loop3A_371 : vector<16xi32>
          %parallel_loop3A_373 = arith.constant 2047 : i32
          %parallel_loop3A_374 = vector.broadcast %parallel_loop3A_373 : i32 to vector<16xi32>
          %parallel_loop3A_375 = arith.andi %parallel_loop3A_372, %parallel_loop3A_374 : vector<16xi32>
          %parallel_loop3A_376 = arith.constant 1 : i32
          %parallel_loop3A_377 = arith.constant 0 : i32
          %parallel_loop3A_378 = vector.broadcast %parallel_loop3A_376 : i32 to vector<16xi32>
          %parallel_loop3A_379 = vector.broadcast %parallel_loop3A_377 : i32 to vector<16xi32>
          %parallel_loop3A_380 = arith.select %parallel_loop3A_366, %parallel_loop3A_378, %parallel_loop3A_379 : vector<16xi1>, vector<16xi32>
          %parallel_loop3A_381 = arith.addi %parallel_loop3A_338, %parallel_loop3A_380 : vector<16xi32>
          %parallel_loop3A_382 = arith.constant 1.000000e+00 : f32
          %parallel_loop3A_383 = arith.constant 0.000000e+00 : f32
          %parallel_loop3A_384 = vector.broadcast %parallel_loop3A_382 : f32 to vector<16xf32>
          %parallel_loop3A_385 = vector.broadcast %parallel_loop3A_383 : f32 to vector<16xf32>
          %parallel_loop3A_386 = arith.select %parallel_loop3A_366, %parallel_loop3A_384, %parallel_loop3A_385 : vector<16xi1>, vector<16xf32>
          %parallel_loop3A_387 = arith.addf %parallel_loop3A_344, %parallel_loop3A_386 : vector<16xf32>
          %parallel_loop3A_388 = arith.subi %parallel_loop3A_370, %parallel_loop3A_375 : vector<16xi32>
          %parallel_loop3A_389 = arith.constant 0 : i32
          %parallel_loop3A_390 = vector.broadcast %parallel_loop3A_389 : i32 to vector<16xi32>
          %parallel_loop3A_391 = arith.select %parallel_loop3A_366, %parallel_loop3A_388, %parallel_loop3A_390 : vector<16xi1>, vector<16xi32>
          %parallel_loop3A_392 = arith.addi %parallel_loop3A_349, %parallel_loop3A_391 : vector<16xi32>
          %parallel_loop3A_393 = arith.constant 0.000000e+00 : f32
          %parallel_loop3A_394 = vector.broadcast %parallel_loop3A_393 : f32 to vector<16xf32>
          %parallel_loop3A_395 = arith.maximumf %parallel_loop3A_363, %parallel_loop3A_394 : vector<16xf32>
          %parallel_loop3A_396 = arith.addf %parallel_loop3A_353, %parallel_loop3A_395 : vector<16xf32>
          %parallel_loop3A_397 = arith.constant 0.000000e+00 : f32
          %parallel_loop3A_398 = vector.broadcast %parallel_loop3A_397 : f32 to vector<16xf32>
          %parallel_loop3A_399 = arith.select %parallel_loop3A_366, %parallel_loop3A_363, %parallel_loop3A_398 : vector<16xi1>, vector<16xf32>
          %parallel_loop3A_400 = arith.addf %parallel_loop3A_357, %parallel_loop3A_399 : vector<16xf32>
          %parallel_loop3A_401 = arith.constant 112 : i32
          %parallel_loop3A_402 = arith.addi %parallel_loop3A_99, %parallel_loop3A_401 : i32
          %parallel_loop3A_403 = arith.index_cast %scan3A_71 : i32 to index
          %parallel_loop3A_404 = arith.index_cast %parallel_loop3A_402 : i32 to index
          %parallel_loop3A_405 = tpu.vector_load %arg4[%parallel_loop3A_403, %parallel_loop3A_404] {strides = array<i32>} : memref<16x2048xf32, #tpu.memory_space<vmem>>, vector<1x16xf32>,
          %parallel_loop3A_406 = vector.shape_cast %parallel_loop3A_405 : vector<1x16xf32> to vector<16xf32>
          %parallel_loop3A_407 = arith.constant 0.000000e+00 : f32
          %parallel_loop3A_408 = vector.broadcast %parallel_loop3A_407 : f32 to vector<16xf32>
          %parallel_loop3A_409 = arith.cmpf ogt, %parallel_loop3A_406, %parallel_loop3A_408 : vector<16xf32>
          %parallel_loop3A_410 = arith.constant 112 : i32
          %parallel_loop3A_411 = arith.addi %parallel_loop3A_99, %parallel_loop3A_410 : i32
          %parallel_loop3A_412 = vector.broadcast %parallel_loop3A_411 : i32 to vector<16xi32>
          %parallel_loop3A_413 = arith.addi %iota3A, %parallel_loop3A_412 : vector<16xi32>
          %parallel_loop3A_414 = vector.broadcast %mul3A_78 : i32 to vector<16xi32>
          %parallel_loop3A_415 = arith.addi %parallel_loop3A_413, %parallel_loop3A_414 : vector<16xi32>
          %parallel_loop3A_416 = arith.constant 2047 : i32
          %parallel_loop3A_417 = vector.broadcast %parallel_loop3A_416 : i32 to vector<16xi32>
          %parallel_loop3A_418 = arith.andi %parallel_loop3A_415, %parallel_loop3A_417 : vector<16xi32>
          %parallel_loop3A_419 = arith.constant 1 : i32
          %parallel_loop3A_420 = arith.constant 0 : i32
          %parallel_loop3A_421 = vector.broadcast %parallel_loop3A_419 : i32 to vector<16xi32>
          %parallel_loop3A_422 = vector.broadcast %parallel_loop3A_420 : i32 to vector<16xi32>
          %parallel_loop3A_423 = arith.select %parallel_loop3A_409, %parallel_loop3A_421, %parallel_loop3A_422 : vector<16xi1>, vector<16xi32>
          %parallel_loop3A_424 = arith.addi %parallel_loop3A_381, %parallel_loop3A_423 : vector<16xi32>
          %parallel_loop3A_425 = arith.constant 1.000000e+00 : f32
          %parallel_loop3A_426 = arith.constant 0.000000e+00 : f32
          %parallel_loop3A_427 = vector.broadcast %parallel_loop3A_425 : f32 to vector<16xf32>
          %parallel_loop3A_428 = vector.broadcast %parallel_loop3A_426 : f32 to vector<16xf32>
          %parallel_loop3A_429 = arith.select %parallel_loop3A_409, %parallel_loop3A_427, %parallel_loop3A_428 : vector<16xi1>, vector<16xf32>
          %parallel_loop3A_430 = arith.addf %parallel_loop3A_387, %parallel_loop3A_429 : vector<16xf32>
          %parallel_loop3A_431 = arith.subi %parallel_loop3A_413, %parallel_loop3A_418 : vector<16xi32>
          %parallel_loop3A_432 = arith.constant 0 : i32
          %parallel_loop3A_433 = vector.broadcast %parallel_loop3A_432 : i32 to vector<16xi32>
          %parallel_loop3A_434 = arith.select %parallel_loop3A_409, %parallel_loop3A_431, %parallel_loop3A_433 : vector<16xi1>, vector<16xi32>
          %parallel_loop3A_435 = arith.addi %parallel_loop3A_392, %parallel_loop3A_434 : vector<16xi32>
          %parallel_loop3A_436 = arith.constant 0.000000e+00 : f32
          %parallel_loop3A_437 = vector.broadcast %parallel_loop3A_436 : f32 to vector<16xf32>
          %parallel_loop3A_438 = arith.maximumf %parallel_loop3A_406, %parallel_loop3A_437 : vector<16xf32>
          %parallel_loop3A_439 = arith.addf %parallel_loop3A_396, %parallel_loop3A_438 : vector<16xf32>
          %parallel_loop3A_440 = arith.constant 0.000000e+00 : f32
          %parallel_loop3A_441 = vector.broadcast %parallel_loop3A_440 : f32 to vector<16xf32>
          %parallel_loop3A_442 = arith.select %parallel_loop3A_409, %parallel_loop3A_406, %parallel_loop3A_441 : vector<16xi1>, vector<16xf32>
          %parallel_loop3A_443 = arith.addf %parallel_loop3A_400, %parallel_loop3A_442 : vector<16xf32>
          scf.yield %parallel_loop3A_424, %parallel_loop3A_430, %parallel_loop3A_435, %parallel_loop3A_439, %parallel_loop3A_443 : vector<16xi32>, vector<16xf32>, vector<16xi32>, vector<16xf32>, vector<16xf32>
        } {sc.loop_unroll_factor = 1 : i64, sc.parallel_access}
        %convert_element_type3A_82 = arith.fptosi %parallel_loop3A_81#1 : vector<16xf32> to vector<16xi32>
        %ne3A = arith.cmpi ne, %parallel_loop3A_81#0, %convert_element_type3A_82 : vector<16xi32>
        %ne3A_83 = arith.constant 0 : i32
        %ne3A_84 = vector.broadcast %ne3A_83 : i32 to vector<16xi32>
        %ne3A_85 = arith.cmpi ne, %parallel_loop3A_81#2, %ne3A_84 : vector<16xi32>
        %or3A = arith.ori %ne3A, %ne3A_85 : vector<16xi1>
        %ne3A_86 = arith.cmpf one, %parallel_loop3A_81#3, %parallel_loop3A_81#4 : vector<16xf32>
        %or3A_87 = arith.ori %or3A, %ne3A_86 : vector<16xi1>
        %jit3A = arith.constant 1 : i32
        %jit3A_88 = arith.constant 0 : i32
        %broadcast_in_dim3A_89 = vector.broadcast %jit3A : i32 to vector<16xi32>
        %broadcast_in_dim3A_90 = vector.broadcast %jit3A_88 : i32 to vector<16xi32>
        %select_n3A = arith.select %or3A_87, %broadcast_in_dim3A_89, %broadcast_in_dim3A_90 : vector<16xi1>, vector<16xi32>
        %add3A_91 = arith.addi %scan3A_72, %select_n3A : vector<16xi32>
        scf.yield %add3A_91 : vector<16xi32>
      }
      %scan3A_42 = arith.constant 16 : i32
      %lt3A = arith.constant 1 : i32
      %lt3A_43 = arith.cmpi slt, %scan3A_25, %lt3A : i32
      %convert_element_type3A = arith.extui %lt3A_43 : i1 to i32
      %cond3A = arith.constant 0 : i32
      %cond3A_44 = arith.cmpi ne, %convert_element_type3A, %cond3A : i32
      scf.if %cond3A_44 {
        %mul3A_71 = arith.constant 2 : i32
        %mul3A_72 = arith.muli %mul3A_71, %scan3A_25 : i32
        %add3A_73 = arith.constant 2 : i32
        %add3A_74 = arith.addi %mul3A_72, %add3A_73 : i32
        %mul3A_75 = arith.constant 16 : i32
        %mul3A_76 = arith.muli %add3A_74, %mul3A_75 : i32
        %add3A_77 = arith.addi %mul3A_2, %mul3A_76 : i32
        %dma_start3A_78 = arith.constant 0 : i32
        %dma_start3A_79 = tpu.memref_slice %arg2[%add3A_77, %dma_start3A_78] : memref<8192x2048xf32, #tpu.memory_space<hbm>> -> memref<16x2048xf32, #tpu.memory_space<hbm>>
        %dma_start3A_80 = arith.constant 0 : i32
        %dma_start3A_81 = tpu.memref_slice %arg2[%add3A_77, %dma_start3A_80] : memref<8192x2048xf32, #tpu.memory_space<hbm>> -> memref<16x2048xf32, #tpu.memory_space<hbm>>
        tpu.enqueue_dma source(%dma_start3A_81 : memref<16x2048xf32, #tpu.memory_space<hbm>>) target(%arg4 : memref<16x2048xf32, #tpu.memory_space<vmem>>) target_semaphore(%arg7 : memref<!tpu.dma_semaphore, #tpu.memory_space<semaphore_mem>>)
      } else {
      }
      %mul3A_45 = arith.constant 2 : i32
      %mul3A_46 = arith.muli %mul3A_45, %scan3A_25 : i32
      %add3A_47 = arith.constant 1 : i32
      %add3A_48 = arith.addi %mul3A_46, %add3A_47 : i32
      %mul3A_49 = arith.constant 16 : i32
      %mul3A_50 = arith.muli %add3A_48, %mul3A_49 : i32
      %add3A_51 = arith.addi %mul3A_2, %mul3A_50 : i32
      %dma_wait3A_52 = arith.constant 0 : i32
      %dma_wait3A_53 = tpu.memref_slice %arg2[%add3A_51, %dma_wait3A_52] : memref<8192x2048xf32, #tpu.memory_space<hbm>> -> memref<16x2048xf32, #tpu.memory_space<hbm>>
      %dma_wait3A_54 = arith.constant 0 : i32
      %dma_wait3A_55 = tpu.memref_slice %arg2[%add3A_51, %dma_wait3A_54] : memref<8192x2048xf32, #tpu.memory_space<hbm>> -> memref<16x2048xf32, #tpu.memory_space<hbm>>
      tpu.wait_dma2 semaphore(%arg8 : memref<!tpu.dma_semaphore, #tpu.memory_space<semaphore_mem>>) src(%dma_wait3A_55 : memref<16x2048xf32, #tpu.memory_space<hbm>>) dst(%arg5 : memref<16x2048xf32, #tpu.memory_space<vmem>>)
      %mul3A_56 = arith.constant 2 : i32
      %mul3A_57 = arith.muli %mul3A_56, %scan3A_25 : i32
      %add3A_58 = arith.constant 1 : i32
      %add3A_59 = arith.addi %mul3A_57, %add3A_58 : i32
      %scan3A_60 = arith.constant 0 : i32
      %scan3A_61 = arith.constant 16 : i32
      %scan3A_62 = arith.addi %scan3A_60, %scan3A_61 : i32
      %scan3A_63 = arith.constant 1 : i32
      %scan3A_64 = scf.for %scan3A_71 = %scan3A_60 to %scan3A_62 step %scan3A_63 iter_args(%scan3A_72 = %scan3A_41) -> (vector<16xi32>)  : i32 {
        %mul3A_73 = arith.constant 16 : i32
        %mul3A_74 = arith.muli %add3A_59, %mul3A_73 : i32
        %add3A_75 = arith.addi %mul3A_2, %mul3A_74 : i32
        %add3A_76 = arith.addi %add3A_75, %scan3A_71 : i32
        %mul3A_77 = arith.constant 2048 : i32
        %mul3A_78 = arith.muli %add3A_76, %mul3A_77 : i32
        %parallel_loop3A = arith.constant 0 : i32
        %parallel_loop3A_79 = arith.constant 16 : i32
        %parallel_loop3A_80 = arith.constant 1 : i32
        %parallel_loop3A_81:5 = scf.for %parallel_loop3A_92 = %parallel_loop3A to %parallel_loop3A_79 step %parallel_loop3A_80 iter_args(%parallel_loop3A_93 = %broadcast_in_dim3A_3, %parallel_loop3A_94 = %broadcast_in_dim3A_5, %parallel_loop3A_95 = %broadcast_in_dim3A_3, %parallel_loop3A_96 = %broadcast_in_dim3A_5, %parallel_loop3A_97 = %broadcast_in_dim3A_5) -> (vector<16xi32>, vector<16xf32>, vector<16xi32>, vector<16xf32>, vector<16xf32>)  : i32 {
          %parallel_loop3A_98 = arith.constant 128 : i32
          %parallel_loop3A_99 = arith.muli %parallel_loop3A_92, %parallel_loop3A_98 : i32
          %parallel_loop3A_100 = arith.constant 0 : i32
          %parallel_loop3A_101 = arith.addi %parallel_loop3A_99, %parallel_loop3A_100 : i32
          %parallel_loop3A_102 = arith.index_cast %scan3A_71 : i32 to index
          %parallel_loop3A_103 = arith.index_cast %parallel_loop3A_101 : i32 to index
          %parallel_loop3A_104 = tpu.vector_load %arg5[%parallel_loop3A_102, %parallel_loop3A_103] {strides = array<i32>} : memref<16x2048xf32, #tpu.memory_space<vmem>>, vector<1x16xf32>,
          %parallel_loop3A_105 = vector.shape_cast %parallel_loop3A_104 : vector<1x16xf32> to vector<16xf32>
          %parallel_loop3A_106 = arith.constant 0.000000e+00 : f32
          %parallel_loop3A_107 = vector.broadcast %parallel_loop3A_106 : f32 to vector<16xf32>
          %parallel_loop3A_108 = arith.cmpf ogt, %parallel_loop3A_105, %parallel_loop3A_107 : vector<16xf32>
          %parallel_loop3A_109 = arith.constant 0 : i32
          %parallel_loop3A_110 = arith.addi %parallel_loop3A_99, %parallel_loop3A_109 : i32
          %parallel_loop3A_111 = vector.broadcast %parallel_loop3A_110 : i32 to vector<16xi32>
          %parallel_loop3A_112 = arith.addi %iota3A, %parallel_loop3A_111 : vector<16xi32>
          %parallel_loop3A_113 = vector.broadcast %mul3A_78 : i32 to vector<16xi32>
          %parallel_loop3A_114 = arith.addi %parallel_loop3A_112, %parallel_loop3A_113 : vector<16xi32>
          %parallel_loop3A_115 = arith.constant 2047 : i32
          %parallel_loop3A_116 = vector.broadcast %parallel_loop3A_115 : i32 to vector<16xi32>
          %parallel_loop3A_117 = arith.andi %parallel_loop3A_114, %parallel_loop3A_116 : vector<16xi32>
          %parallel_loop3A_118 = arith.constant 1 : i32
          %parallel_loop3A_119 = arith.constant 0 : i32
          %parallel_loop3A_120 = vector.broadcast %parallel_loop3A_118 : i32 to vector<16xi32>
          %parallel_loop3A_121 = vector.broadcast %parallel_loop3A_119 : i32 to vector<16xi32>
          %parallel_loop3A_122 = arith.select %parallel_loop3A_108, %parallel_loop3A_120, %parallel_loop3A_121 : vector<16xi1>, vector<16xi32>
          %parallel_loop3A_123 = arith.addi %parallel_loop3A_93, %parallel_loop3A_122 : vector<16xi32>
          %parallel_loop3A_124 = arith.constant 1.000000e+00 : f32
          %parallel_loop3A_125 = arith.constant 0.000000e+00 : f32
          %parallel_loop3A_126 = vector.broadcast %parallel_loop3A_124 : f32 to vector<16xf32>
          %parallel_loop3A_127 = vector.broadcast %parallel_loop3A_125 : f32 to vector<16xf32>
          %parallel_loop3A_128 = arith.select %parallel_loop3A_108, %parallel_loop3A_126, %parallel_loop3A_127 : vector<16xi1>, vector<16xf32>
          %parallel_loop3A_129 = arith.addf %parallel_loop3A_94, %parallel_loop3A_128 : vector<16xf32>
          %parallel_loop3A_130 = arith.subi %parallel_loop3A_112, %parallel_loop3A_117 : vector<16xi32>
          %parallel_loop3A_131 = arith.constant 0 : i32
          %parallel_loop3A_132 = vector.broadcast %parallel_loop3A_131 : i32 to vector<16xi32>
          %parallel_loop3A_133 = arith.select %parallel_loop3A_108, %parallel_loop3A_130, %parallel_loop3A_132 : vector<16xi1>, vector<16xi32>
          %parallel_loop3A_134 = arith.addi %parallel_loop3A_95, %parallel_loop3A_133 : vector<16xi32>
          %parallel_loop3A_135 = arith.constant 0.000000e+00 : f32
          %parallel_loop3A_136 = vector.broadcast %parallel_loop3A_135 : f32 to vector<16xf32>
          %parallel_loop3A_137 = arith.maximumf %parallel_loop3A_105, %parallel_loop3A_136 : vector<16xf32>
          %parallel_loop3A_138 = arith.addf %parallel_loop3A_96, %parallel_loop3A_137 : vector<16xf32>
          %parallel_loop3A_139 = arith.constant 0.000000e+00 : f32
          %parallel_loop3A_140 = vector.broadcast %parallel_loop3A_139 : f32 to vector<16xf32>
          %parallel_loop3A_141 = arith.select %parallel_loop3A_108, %parallel_loop3A_105, %parallel_loop3A_140 : vector<16xi1>, vector<16xf32>
          %parallel_loop3A_142 = arith.addf %parallel_loop3A_97, %parallel_loop3A_141 : vector<16xf32>
          %parallel_loop3A_143 = arith.constant 16 : i32
          %parallel_loop3A_144 = arith.addi %parallel_loop3A_99, %parallel_loop3A_143 : i32
          %parallel_loop3A_145 = arith.index_cast %scan3A_71 : i32 to index
          %parallel_loop3A_146 = arith.index_cast %parallel_loop3A_144 : i32 to index
          %parallel_loop3A_147 = tpu.vector_load %arg5[%parallel_loop3A_145, %parallel_loop3A_146] {strides = array<i32>} : memref<16x2048xf32, #tpu.memory_space<vmem>>, vector<1x16xf32>,
          %parallel_loop3A_148 = vector.shape_cast %parallel_loop3A_147 : vector<1x16xf32> to vector<16xf32>
          %parallel_loop3A_149 = arith.constant 0.000000e+00 : f32
          %parallel_loop3A_150 = vector.broadcast %parallel_loop3A_149 : f32 to vector<16xf32>
          %parallel_loop3A_151 = arith.cmpf ogt, %parallel_loop3A_148, %parallel_loop3A_150 : vector<16xf32>
          %parallel_loop3A_152 = arith.constant 16 : i32
          %parallel_loop3A_153 = arith.addi %parallel_loop3A_99, %parallel_loop3A_152 : i32
          %parallel_loop3A_154 = vector.broadcast %parallel_loop3A_153 : i32 to vector<16xi32>
          %parallel_loop3A_155 = arith.addi %iota3A, %parallel_loop3A_154 : vector<16xi32>
          %parallel_loop3A_156 = vector.broadcast %mul3A_78 : i32 to vector<16xi32>
          %parallel_loop3A_157 = arith.addi %parallel_loop3A_155, %parallel_loop3A_156 : vector<16xi32>
          %parallel_loop3A_158 = arith.constant 2047 : i32
          %parallel_loop3A_159 = vector.broadcast %parallel_loop3A_158 : i32 to vector<16xi32>
          %parallel_loop3A_160 = arith.andi %parallel_loop3A_157, %parallel_loop3A_159 : vector<16xi32>
          %parallel_loop3A_161 = arith.constant 1 : i32
          %parallel_loop3A_162 = arith.constant 0 : i32
          %parallel_loop3A_163 = vector.broadcast %parallel_loop3A_161 : i32 to vector<16xi32>
          %parallel_loop3A_164 = vector.broadcast %parallel_loop3A_162 : i32 to vector<16xi32>
          %parallel_loop3A_165 = arith.select %parallel_loop3A_151, %parallel_loop3A_163, %parallel_loop3A_164 : vector<16xi1>, vector<16xi32>
          %parallel_loop3A_166 = arith.addi %parallel_loop3A_123, %parallel_loop3A_165 : vector<16xi32>
          %parallel_loop3A_167 = arith.constant 1.000000e+00 : f32
          %parallel_loop3A_168 = arith.constant 0.000000e+00 : f32
          %parallel_loop3A_169 = vector.broadcast %parallel_loop3A_167 : f32 to vector<16xf32>
          %parallel_loop3A_170 = vector.broadcast %parallel_loop3A_168 : f32 to vector<16xf32>
          %parallel_loop3A_171 = arith.select %parallel_loop3A_151, %parallel_loop3A_169, %parallel_loop3A_170 : vector<16xi1>, vector<16xf32>
          %parallel_loop3A_172 = arith.addf %parallel_loop3A_129, %parallel_loop3A_171 : vector<16xf32>
          %parallel_loop3A_173 = arith.subi %parallel_loop3A_155, %parallel_loop3A_160 : vector<16xi32>
          %parallel_loop3A_174 = arith.constant 0 : i32
          %parallel_loop3A_175 = vector.broadcast %parallel_loop3A_174 : i32 to vector<16xi32>
          %parallel_loop3A_176 = arith.select %parallel_loop3A_151, %parallel_loop3A_173, %parallel_loop3A_175 : vector<16xi1>, vector<16xi32>
          %parallel_loop3A_177 = arith.addi %parallel_loop3A_134, %parallel_loop3A_176 : vector<16xi32>
          %parallel_loop3A_178 = arith.constant 0.000000e+00 : f32
          %parallel_loop3A_179 = vector.broadcast %parallel_loop3A_178 : f32 to vector<16xf32>
          %parallel_loop3A_180 = arith.maximumf %parallel_loop3A_148, %parallel_loop3A_179 : vector<16xf32>
          %parallel_loop3A_181 = arith.addf %parallel_loop3A_138, %parallel_loop3A_180 : vector<16xf32>
          %parallel_loop3A_182 = arith.constant 0.000000e+00 : f32
          %parallel_loop3A_183 = vector.broadcast %parallel_loop3A_182 : f32 to vector<16xf32>
          %parallel_loop3A_184 = arith.select %parallel_loop3A_151, %parallel_loop3A_148, %parallel_loop3A_183 : vector<16xi1>, vector<16xf32>
          %parallel_loop3A_185 = arith.addf %parallel_loop3A_142, %parallel_loop3A_184 : vector<16xf32>
          %parallel_loop3A_186 = arith.constant 32 : i32
          %parallel_loop3A_187 = arith.addi %parallel_loop3A_99, %parallel_loop3A_186 : i32
          %parallel_loop3A_188 = arith.index_cast %scan3A_71 : i32 to index
          %parallel_loop3A_189 = arith.index_cast %parallel_loop3A_187 : i32 to index
          %parallel_loop3A_190 = tpu.vector_load %arg5[%parallel_loop3A_188, %parallel_loop3A_189] {strides = array<i32>} : memref<16x2048xf32, #tpu.memory_space<vmem>>, vector<1x16xf32>,
          %parallel_loop3A_191 = vector.shape_cast %parallel_loop3A_190 : vector<1x16xf32> to vector<16xf32>
          %parallel_loop3A_192 = arith.constant 0.000000e+00 : f32
          %parallel_loop3A_193 = vector.broadcast %parallel_loop3A_192 : f32 to vector<16xf32>
          %parallel_loop3A_194 = arith.cmpf ogt, %parallel_loop3A_191, %parallel_loop3A_193 : vector<16xf32>
          %parallel_loop3A_195 = arith.constant 32 : i32
          %parallel_loop3A_196 = arith.addi %parallel_loop3A_99, %parallel_loop3A_195 : i32
          %parallel_loop3A_197 = vector.broadcast %parallel_loop3A_196 : i32 to vector<16xi32>
          %parallel_loop3A_198 = arith.addi %iota3A, %parallel_loop3A_197 : vector<16xi32>
          %parallel_loop3A_199 = vector.broadcast %mul3A_78 : i32 to vector<16xi32>
          %parallel_loop3A_200 = arith.addi %parallel_loop3A_198, %parallel_loop3A_199 : vector<16xi32>
          %parallel_loop3A_201 = arith.constant 2047 : i32
          %parallel_loop3A_202 = vector.broadcast %parallel_loop3A_201 : i32 to vector<16xi32>
          %parallel_loop3A_203 = arith.andi %parallel_loop3A_200, %parallel_loop3A_202 : vector<16xi32>
          %parallel_loop3A_204 = arith.constant 1 : i32
          %parallel_loop3A_205 = arith.constant 0 : i32
          %parallel_loop3A_206 = vector.broadcast %parallel_loop3A_204 : i32 to vector<16xi32>
          %parallel_loop3A_207 = vector.broadcast %parallel_loop3A_205 : i32 to vector<16xi32>
          %parallel_loop3A_208 = arith.select %parallel_loop3A_194, %parallel_loop3A_206, %parallel_loop3A_207 : vector<16xi1>, vector<16xi32>
          %parallel_loop3A_209 = arith.addi %parallel_loop3A_166, %parallel_loop3A_208 : vector<16xi32>
          %parallel_loop3A_210 = arith.constant 1.000000e+00 : f32
          %parallel_loop3A_211 = arith.constant 0.000000e+00 : f32
          %parallel_loop3A_212 = vector.broadcast %parallel_loop3A_210 : f32 to vector<16xf32>
          %parallel_loop3A_213 = vector.broadcast %parallel_loop3A_211 : f32 to vector<16xf32>
          %parallel_loop3A_214 = arith.select %parallel_loop3A_194, %parallel_loop3A_212, %parallel_loop3A_213 : vector<16xi1>, vector<16xf32>
          %parallel_loop3A_215 = arith.addf %parallel_loop3A_172, %parallel_loop3A_214 : vector<16xf32>
          %parallel_loop3A_216 = arith.subi %parallel_loop3A_198, %parallel_loop3A_203 : vector<16xi32>
          %parallel_loop3A_217 = arith.constant 0 : i32
          %parallel_loop3A_218 = vector.broadcast %parallel_loop3A_217 : i32 to vector<16xi32>
          %parallel_loop3A_219 = arith.select %parallel_loop3A_194, %parallel_loop3A_216, %parallel_loop3A_218 : vector<16xi1>, vector<16xi32>
          %parallel_loop3A_220 = arith.addi %parallel_loop3A_177, %parallel_loop3A_219 : vector<16xi32>
          %parallel_loop3A_221 = arith.constant 0.000000e+00 : f32
          %parallel_loop3A_222 = vector.broadcast %parallel_loop3A_221 : f32 to vector<16xf32>
          %parallel_loop3A_223 = arith.maximumf %parallel_loop3A_191, %parallel_loop3A_222 : vector<16xf32>
          %parallel_loop3A_224 = arith.addf %parallel_loop3A_181, %parallel_loop3A_223 : vector<16xf32>
          %parallel_loop3A_225 = arith.constant 0.000000e+00 : f32
          %parallel_loop3A_226 = vector.broadcast %parallel_loop3A_225 : f32 to vector<16xf32>
          %parallel_loop3A_227 = arith.select %parallel_loop3A_194, %parallel_loop3A_191, %parallel_loop3A_226 : vector<16xi1>, vector<16xf32>
          %parallel_loop3A_228 = arith.addf %parallel_loop3A_185, %parallel_loop3A_227 : vector<16xf32>
          %parallel_loop3A_229 = arith.constant 48 : i32
          %parallel_loop3A_230 = arith.addi %parallel_loop3A_99, %parallel_loop3A_229 : i32
          %parallel_loop3A_231 = arith.index_cast %scan3A_71 : i32 to index
          %parallel_loop3A_232 = arith.index_cast %parallel_loop3A_230 : i32 to index
          %parallel_loop3A_233 = tpu.vector_load %arg5[%parallel_loop3A_231, %parallel_loop3A_232] {strides = array<i32>} : memref<16x2048xf32, #tpu.memory_space<vmem>>, vector<1x16xf32>,
          %parallel_loop3A_234 = vector.shape_cast %parallel_loop3A_233 : vector<1x16xf32> to vector<16xf32>
          %parallel_loop3A_235 = arith.constant 0.000000e+00 : f32
          %parallel_loop3A_236 = vector.broadcast %parallel_loop3A_235 : f32 to vector<16xf32>
          %parallel_loop3A_237 = arith.cmpf ogt, %parallel_loop3A_234, %parallel_loop3A_236 : vector<16xf32>
          %parallel_loop3A_238 = arith.constant 48 : i32
          %parallel_loop3A_239 = arith.addi %parallel_loop3A_99, %parallel_loop3A_238 : i32
          %parallel_loop3A_240 = vector.broadcast %parallel_loop3A_239 : i32 to vector<16xi32>
          %parallel_loop3A_241 = arith.addi %iota3A, %parallel_loop3A_240 : vector<16xi32>
          %parallel_loop3A_242 = vector.broadcast %mul3A_78 : i32 to vector<16xi32>
          %parallel_loop3A_243 = arith.addi %parallel_loop3A_241, %parallel_loop3A_242 : vector<16xi32>
          %parallel_loop3A_244 = arith.constant 2047 : i32
          %parallel_loop3A_245 = vector.broadcast %parallel_loop3A_244 : i32 to vector<16xi32>
          %parallel_loop3A_246 = arith.andi %parallel_loop3A_243, %parallel_loop3A_245 : vector<16xi32>
          %parallel_loop3A_247 = arith.constant 1 : i32
          %parallel_loop3A_248 = arith.constant 0 : i32
          %parallel_loop3A_249 = vector.broadcast %parallel_loop3A_247 : i32 to vector<16xi32>
          %parallel_loop3A_250 = vector.broadcast %parallel_loop3A_248 : i32 to vector<16xi32>
          %parallel_loop3A_251 = arith.select %parallel_loop3A_237, %parallel_loop3A_249, %parallel_loop3A_250 : vector<16xi1>, vector<16xi32>
          %parallel_loop3A_252 = arith.addi %parallel_loop3A_209, %parallel_loop3A_251 : vector<16xi32>
          %parallel_loop3A_253 = arith.constant 1.000000e+00 : f32
          %parallel_loop3A_254 = arith.constant 0.000000e+00 : f32
          %parallel_loop3A_255 = vector.broadcast %parallel_loop3A_253 : f32 to vector<16xf32>
          %parallel_loop3A_256 = vector.broadcast %parallel_loop3A_254 : f32 to vector<16xf32>
          %parallel_loop3A_257 = arith.select %parallel_loop3A_237, %parallel_loop3A_255, %parallel_loop3A_256 : vector<16xi1>, vector<16xf32>
          %parallel_loop3A_258 = arith.addf %parallel_loop3A_215, %parallel_loop3A_257 : vector<16xf32>
          %parallel_loop3A_259 = arith.subi %parallel_loop3A_241, %parallel_loop3A_246 : vector<16xi32>
          %parallel_loop3A_260 = arith.constant 0 : i32
          %parallel_loop3A_261 = vector.broadcast %parallel_loop3A_260 : i32 to vector<16xi32>
          %parallel_loop3A_262 = arith.select %parallel_loop3A_237, %parallel_loop3A_259, %parallel_loop3A_261 : vector<16xi1>, vector<16xi32>
          %parallel_loop3A_263 = arith.addi %parallel_loop3A_220, %parallel_loop3A_262 : vector<16xi32>
          %parallel_loop3A_264 = arith.constant 0.000000e+00 : f32
          %parallel_loop3A_265 = vector.broadcast %parallel_loop3A_264 : f32 to vector<16xf32>
          %parallel_loop3A_266 = arith.maximumf %parallel_loop3A_234, %parallel_loop3A_265 : vector<16xf32>
          %parallel_loop3A_267 = arith.addf %parallel_loop3A_224, %parallel_loop3A_266 : vector<16xf32>
          %parallel_loop3A_268 = arith.constant 0.000000e+00 : f32
          %parallel_loop3A_269 = vector.broadcast %parallel_loop3A_268 : f32 to vector<16xf32>
          %parallel_loop3A_270 = arith.select %parallel_loop3A_237, %parallel_loop3A_234, %parallel_loop3A_269 : vector<16xi1>, vector<16xf32>
          %parallel_loop3A_271 = arith.addf %parallel_loop3A_228, %parallel_loop3A_270 : vector<16xf32>
          %parallel_loop3A_272 = arith.constant 64 : i32
          %parallel_loop3A_273 = arith.addi %parallel_loop3A_99, %parallel_loop3A_272 : i32
          %parallel_loop3A_274 = arith.index_cast %scan3A_71 : i32 to index
          %parallel_loop3A_275 = arith.index_cast %parallel_loop3A_273 : i32 to index
          %parallel_loop3A_276 = tpu.vector_load %arg5[%parallel_loop3A_274, %parallel_loop3A_275] {strides = array<i32>} : memref<16x2048xf32, #tpu.memory_space<vmem>>, vector<1x16xf32>,
          %parallel_loop3A_277 = vector.shape_cast %parallel_loop3A_276 : vector<1x16xf32> to vector<16xf32>
          %parallel_loop3A_278 = arith.constant 0.000000e+00 : f32
          %parallel_loop3A_279 = vector.broadcast %parallel_loop3A_278 : f32 to vector<16xf32>
          %parallel_loop3A_280 = arith.cmpf ogt, %parallel_loop3A_277, %parallel_loop3A_279 : vector<16xf32>
          %parallel_loop3A_281 = arith.constant 64 : i32
          %parallel_loop3A_282 = arith.addi %parallel_loop3A_99, %parallel_loop3A_281 : i32
          %parallel_loop3A_283 = vector.broadcast %parallel_loop3A_282 : i32 to vector<16xi32>
          %parallel_loop3A_284 = arith.addi %iota3A, %parallel_loop3A_283 : vector<16xi32>
          %parallel_loop3A_285 = vector.broadcast %mul3A_78 : i32 to vector<16xi32>
          %parallel_loop3A_286 = arith.addi %parallel_loop3A_284, %parallel_loop3A_285 : vector<16xi32>
          %parallel_loop3A_287 = arith.constant 2047 : i32
          %parallel_loop3A_288 = vector.broadcast %parallel_loop3A_287 : i32 to vector<16xi32>
          %parallel_loop3A_289 = arith.andi %parallel_loop3A_286, %parallel_loop3A_288 : vector<16xi32>
          %parallel_loop3A_290 = arith.constant 1 : i32
          %parallel_loop3A_291 = arith.constant 0 : i32
          %parallel_loop3A_292 = vector.broadcast %parallel_loop3A_290 : i32 to vector<16xi32>
          %parallel_loop3A_293 = vector.broadcast %parallel_loop3A_291 : i32 to vector<16xi32>
          %parallel_loop3A_294 = arith.select %parallel_loop3A_280, %parallel_loop3A_292, %parallel_loop3A_293 : vector<16xi1>, vector<16xi32>
          %parallel_loop3A_295 = arith.addi %parallel_loop3A_252, %parallel_loop3A_294 : vector<16xi32>
          %parallel_loop3A_296 = arith.constant 1.000000e+00 : f32
          %parallel_loop3A_297 = arith.constant 0.000000e+00 : f32
          %parallel_loop3A_298 = vector.broadcast %parallel_loop3A_296 : f32 to vector<16xf32>
          %parallel_loop3A_299 = vector.broadcast %parallel_loop3A_297 : f32 to vector<16xf32>
          %parallel_loop3A_300 = arith.select %parallel_loop3A_280, %parallel_loop3A_298, %parallel_loop3A_299 : vector<16xi1>, vector<16xf32>
          %parallel_loop3A_301 = arith.addf %parallel_loop3A_258, %parallel_loop3A_300 : vector<16xf32>
          %parallel_loop3A_302 = arith.subi %parallel_loop3A_284, %parallel_loop3A_289 : vector<16xi32>
          %parallel_loop3A_303 = arith.constant 0 : i32
          %parallel_loop3A_304 = vector.broadcast %parallel_loop3A_303 : i32 to vector<16xi32>
          %parallel_loop3A_305 = arith.select %parallel_loop3A_280, %parallel_loop3A_302, %parallel_loop3A_304 : vector<16xi1>, vector<16xi32>
          %parallel_loop3A_306 = arith.addi %parallel_loop3A_263, %parallel_loop3A_305 : vector<16xi32>
          %parallel_loop3A_307 = arith.constant 0.000000e+00 : f32
          %parallel_loop3A_308 = vector.broadcast %parallel_loop3A_307 : f32 to vector<16xf32>
          %parallel_loop3A_309 = arith.maximumf %parallel_loop3A_277, %parallel_loop3A_308 : vector<16xf32>
          %parallel_loop3A_310 = arith.addf %parallel_loop3A_267, %parallel_loop3A_309 : vector<16xf32>
          %parallel_loop3A_311 = arith.constant 0.000000e+00 : f32
          %parallel_loop3A_312 = vector.broadcast %parallel_loop3A_311 : f32 to vector<16xf32>
          %parallel_loop3A_313 = arith.select %parallel_loop3A_280, %parallel_loop3A_277, %parallel_loop3A_312 : vector<16xi1>, vector<16xf32>
          %parallel_loop3A_314 = arith.addf %parallel_loop3A_271, %parallel_loop3A_313 : vector<16xf32>
          %parallel_loop3A_315 = arith.constant 80 : i32
          %parallel_loop3A_316 = arith.addi %parallel_loop3A_99, %parallel_loop3A_315 : i32
          %parallel_loop3A_317 = arith.index_cast %scan3A_71 : i32 to index
          %parallel_loop3A_318 = arith.index_cast %parallel_loop3A_316 : i32 to index
          %parallel_loop3A_319 = tpu.vector_load %arg5[%parallel_loop3A_317, %parallel_loop3A_318] {strides = array<i32>} : memref<16x2048xf32, #tpu.memory_space<vmem>>, vector<1x16xf32>,
          %parallel_loop3A_320 = vector.shape_cast %parallel_loop3A_319 : vector<1x16xf32> to vector<16xf32>
          %parallel_loop3A_321 = arith.constant 0.000000e+00 : f32
          %parallel_loop3A_322 = vector.broadcast %parallel_loop3A_321 : f32 to vector<16xf32>
          %parallel_loop3A_323 = arith.cmpf ogt, %parallel_loop3A_320, %parallel_loop3A_322 : vector<16xf32>
          %parallel_loop3A_324 = arith.constant 80 : i32
          %parallel_loop3A_325 = arith.addi %parallel_loop3A_99, %parallel_loop3A_324 : i32
          %parallel_loop3A_326 = vector.broadcast %parallel_loop3A_325 : i32 to vector<16xi32>
          %parallel_loop3A_327 = arith.addi %iota3A, %parallel_loop3A_326 : vector<16xi32>
          %parallel_loop3A_328 = vector.broadcast %mul3A_78 : i32 to vector<16xi32>
          %parallel_loop3A_329 = arith.addi %parallel_loop3A_327, %parallel_loop3A_328 : vector<16xi32>
          %parallel_loop3A_330 = arith.constant 2047 : i32
          %parallel_loop3A_331 = vector.broadcast %parallel_loop3A_330 : i32 to vector<16xi32>
          %parallel_loop3A_332 = arith.andi %parallel_loop3A_329, %parallel_loop3A_331 : vector<16xi32>
          %parallel_loop3A_333 = arith.constant 1 : i32
          %parallel_loop3A_334 = arith.constant 0 : i32
          %parallel_loop3A_335 = vector.broadcast %parallel_loop3A_333 : i32 to vector<16xi32>
          %parallel_loop3A_336 = vector.broadcast %parallel_loop3A_334 : i32 to vector<16xi32>
          %parallel_loop3A_337 = arith.select %parallel_loop3A_323, %parallel_loop3A_335, %parallel_loop3A_336 : vector<16xi1>, vector<16xi32>
          %parallel_loop3A_338 = arith.addi %parallel_loop3A_295, %parallel_loop3A_337 : vector<16xi32>
          %parallel_loop3A_339 = arith.constant 1.000000e+00 : f32
          %parallel_loop3A_340 = arith.constant 0.000000e+00 : f32
          %parallel_loop3A_341 = vector.broadcast %parallel_loop3A_339 : f32 to vector<16xf32>
          %parallel_loop3A_342 = vector.broadcast %parallel_loop3A_340 : f32 to vector<16xf32>
          %parallel_loop3A_343 = arith.select %parallel_loop3A_323, %parallel_loop3A_341, %parallel_loop3A_342 : vector<16xi1>, vector<16xf32>
          %parallel_loop3A_344 = arith.addf %parallel_loop3A_301, %parallel_loop3A_343 : vector<16xf32>
          %parallel_loop3A_345 = arith.subi %parallel_loop3A_327, %parallel_loop3A_332 : vector<16xi32>
          %parallel_loop3A_346 = arith.constant 0 : i32
          %parallel_loop3A_347 = vector.broadcast %parallel_loop3A_346 : i32 to vector<16xi32>
          %parallel_loop3A_348 = arith.select %parallel_loop3A_323, %parallel_loop3A_345, %parallel_loop3A_347 : vector<16xi1>, vector<16xi32>
          %parallel_loop3A_349 = arith.addi %parallel_loop3A_306, %parallel_loop3A_348 : vector<16xi32>
          %parallel_loop3A_350 = arith.constant 0.000000e+00 : f32
          %parallel_loop3A_351 = vector.broadcast %parallel_loop3A_350 : f32 to vector<16xf32>
          %parallel_loop3A_352 = arith.maximumf %parallel_loop3A_320, %parallel_loop3A_351 : vector<16xf32>
          %parallel_loop3A_353 = arith.addf %parallel_loop3A_310, %parallel_loop3A_352 : vector<16xf32>
          %parallel_loop3A_354 = arith.constant 0.000000e+00 : f32
          %parallel_loop3A_355 = vector.broadcast %parallel_loop3A_354 : f32 to vector<16xf32>
          %parallel_loop3A_356 = arith.select %parallel_loop3A_323, %parallel_loop3A_320, %parallel_loop3A_355 : vector<16xi1>, vector<16xf32>
          %parallel_loop3A_357 = arith.addf %parallel_loop3A_314, %parallel_loop3A_356 : vector<16xf32>
          %parallel_loop3A_358 = arith.constant 96 : i32
          %parallel_loop3A_359 = arith.addi %parallel_loop3A_99, %parallel_loop3A_358 : i32
          %parallel_loop3A_360 = arith.index_cast %scan3A_71 : i32 to index
          %parallel_loop3A_361 = arith.index_cast %parallel_loop3A_359 : i32 to index
          %parallel_loop3A_362 = tpu.vector_load %arg5[%parallel_loop3A_360, %parallel_loop3A_361] {strides = array<i32>} : memref<16x2048xf32, #tpu.memory_space<vmem>>, vector<1x16xf32>,
          %parallel_loop3A_363 = vector.shape_cast %parallel_loop3A_362 : vector<1x16xf32> to vector<16xf32>
          %parallel_loop3A_364 = arith.constant 0.000000e+00 : f32
          %parallel_loop3A_365 = vector.broadcast %parallel_loop3A_364 : f32 to vector<16xf32>
          %parallel_loop3A_366 = arith.cmpf ogt, %parallel_loop3A_363, %parallel_loop3A_365 : vector<16xf32>
          %parallel_loop3A_367 = arith.constant 96 : i32
          %parallel_loop3A_368 = arith.addi %parallel_loop3A_99, %parallel_loop3A_367 : i32
          %parallel_loop3A_369 = vector.broadcast %parallel_loop3A_368 : i32 to vector<16xi32>
          %parallel_loop3A_370 = arith.addi %iota3A, %parallel_loop3A_369 : vector<16xi32>
          %parallel_loop3A_371 = vector.broadcast %mul3A_78 : i32 to vector<16xi32>
          %parallel_loop3A_372 = arith.addi %parallel_loop3A_370, %parallel_loop3A_371 : vector<16xi32>
          %parallel_loop3A_373 = arith.constant 2047 : i32
          %parallel_loop3A_374 = vector.broadcast %parallel_loop3A_373 : i32 to vector<16xi32>
          %parallel_loop3A_375 = arith.andi %parallel_loop3A_372, %parallel_loop3A_374 : vector<16xi32>
          %parallel_loop3A_376 = arith.constant 1 : i32
          %parallel_loop3A_377 = arith.constant 0 : i32
          %parallel_loop3A_378 = vector.broadcast %parallel_loop3A_376 : i32 to vector<16xi32>
          %parallel_loop3A_379 = vector.broadcast %parallel_loop3A_377 : i32 to vector<16xi32>
          %parallel_loop3A_380 = arith.select %parallel_loop3A_366, %parallel_loop3A_378, %parallel_loop3A_379 : vector<16xi1>, vector<16xi32>
          %parallel_loop3A_381 = arith.addi %parallel_loop3A_338, %parallel_loop3A_380 : vector<16xi32>
          %parallel_loop3A_382 = arith.constant 1.000000e+00 : f32
          %parallel_loop3A_383 = arith.constant 0.000000e+00 : f32
          %parallel_loop3A_384 = vector.broadcast %parallel_loop3A_382 : f32 to vector<16xf32>
          %parallel_loop3A_385 = vector.broadcast %parallel_loop3A_383 : f32 to vector<16xf32>
          %parallel_loop3A_386 = arith.select %parallel_loop3A_366, %parallel_loop3A_384, %parallel_loop3A_385 : vector<16xi1>, vector<16xf32>
          %parallel_loop3A_387 = arith.addf %parallel_loop3A_344, %parallel_loop3A_386 : vector<16xf32>
          %parallel_loop3A_388 = arith.subi %parallel_loop3A_370, %parallel_loop3A_375 : vector<16xi32>
          %parallel_loop3A_389 = arith.constant 0 : i32
          %parallel_loop3A_390 = vector.broadcast %parallel_loop3A_389 : i32 to vector<16xi32>
          %parallel_loop3A_391 = arith.select %parallel_loop3A_366, %parallel_loop3A_388, %parallel_loop3A_390 : vector<16xi1>, vector<16xi32>
          %parallel_loop3A_392 = arith.addi %parallel_loop3A_349, %parallel_loop3A_391 : vector<16xi32>
          %parallel_loop3A_393 = arith.constant 0.000000e+00 : f32
          %parallel_loop3A_394 = vector.broadcast %parallel_loop3A_393 : f32 to vector<16xf32>
          %parallel_loop3A_395 = arith.maximumf %parallel_loop3A_363, %parallel_loop3A_394 : vector<16xf32>
          %parallel_loop3A_396 = arith.addf %parallel_loop3A_353, %parallel_loop3A_395 : vector<16xf32>
          %parallel_loop3A_397 = arith.constant 0.000000e+00 : f32
          %parallel_loop3A_398 = vector.broadcast %parallel_loop3A_397 : f32 to vector<16xf32>
          %parallel_loop3A_399 = arith.select %parallel_loop3A_366, %parallel_loop3A_363, %parallel_loop3A_398 : vector<16xi1>, vector<16xf32>
          %parallel_loop3A_400 = arith.addf %parallel_loop3A_357, %parallel_loop3A_399 : vector<16xf32>
          %parallel_loop3A_401 = arith.constant 112 : i32
          %parallel_loop3A_402 = arith.addi %parallel_loop3A_99, %parallel_loop3A_401 : i32
          %parallel_loop3A_403 = arith.index_cast %scan3A_71 : i32 to index
          %parallel_loop3A_404 = arith.index_cast %parallel_loop3A_402 : i32 to index
          %parallel_loop3A_405 = tpu.vector_load %arg5[%parallel_loop3A_403, %parallel_loop3A_404] {strides = array<i32>} : memref<16x2048xf32, #tpu.memory_space<vmem>>, vector<1x16xf32>,
          %parallel_loop3A_406 = vector.shape_cast %parallel_loop3A_405 : vector<1x16xf32> to vector<16xf32>
          %parallel_loop3A_407 = arith.constant 0.000000e+00 : f32
          %parallel_loop3A_408 = vector.broadcast %parallel_loop3A_407 : f32 to vector<16xf32>
          %parallel_loop3A_409 = arith.cmpf ogt, %parallel_loop3A_406, %parallel_loop3A_408 : vector<16xf32>
          %parallel_loop3A_410 = arith.constant 112 : i32
          %parallel_loop3A_411 = arith.addi %parallel_loop3A_99, %parallel_loop3A_410 : i32
          %parallel_loop3A_412 = vector.broadcast %parallel_loop3A_411 : i32 to vector<16xi32>
          %parallel_loop3A_413 = arith.addi %iota3A, %parallel_loop3A_412 : vector<16xi32>
          %parallel_loop3A_414 = vector.broadcast %mul3A_78 : i32 to vector<16xi32>
          %parallel_loop3A_415 = arith.addi %parallel_loop3A_413, %parallel_loop3A_414 : vector<16xi32>
          %parallel_loop3A_416 = arith.constant 2047 : i32
          %parallel_loop3A_417 = vector.broadcast %parallel_loop3A_416 : i32 to vector<16xi32>
          %parallel_loop3A_418 = arith.andi %parallel_loop3A_415, %parallel_loop3A_417 : vector<16xi32>
          %parallel_loop3A_419 = arith.constant 1 : i32
          %parallel_loop3A_420 = arith.constant 0 : i32
          %parallel_loop3A_421 = vector.broadcast %parallel_loop3A_419 : i32 to vector<16xi32>
          %parallel_loop3A_422 = vector.broadcast %parallel_loop3A_420 : i32 to vector<16xi32>
          %parallel_loop3A_423 = arith.select %parallel_loop3A_409, %parallel_loop3A_421, %parallel_loop3A_422 : vector<16xi1>, vector<16xi32>
          %parallel_loop3A_424 = arith.addi %parallel_loop3A_381, %parallel_loop3A_423 : vector<16xi32>
          %parallel_loop3A_425 = arith.constant 1.000000e+00 : f32
          %parallel_loop3A_426 = arith.constant 0.000000e+00 : f32
          %parallel_loop3A_427 = vector.broadcast %parallel_loop3A_425 : f32 to vector<16xf32>
          %parallel_loop3A_428 = vector.broadcast %parallel_loop3A_426 : f32 to vector<16xf32>
          %parallel_loop3A_429 = arith.select %parallel_loop3A_409, %parallel_loop3A_427, %parallel_loop3A_428 : vector<16xi1>, vector<16xf32>
          %parallel_loop3A_430 = arith.addf %parallel_loop3A_387, %parallel_loop3A_429 : vector<16xf32>
          %parallel_loop3A_431 = arith.subi %parallel_loop3A_413, %parallel_loop3A_418 : vector<16xi32>
          %parallel_loop3A_432 = arith.constant 0 : i32
          %parallel_loop3A_433 = vector.broadcast %parallel_loop3A_432 : i32 to vector<16xi32>
          %parallel_loop3A_434 = arith.select %parallel_loop3A_409, %parallel_loop3A_431, %parallel_loop3A_433 : vector<16xi1>, vector<16xi32>
          %parallel_loop3A_435 = arith.addi %parallel_loop3A_392, %parallel_loop3A_434 : vector<16xi32>
          %parallel_loop3A_436 = arith.constant 0.000000e+00 : f32
          %parallel_loop3A_437 = vector.broadcast %parallel_loop3A_436 : f32 to vector<16xf32>
          %parallel_loop3A_438 = arith.maximumf %parallel_loop3A_406, %parallel_loop3A_437 : vector<16xf32>
          %parallel_loop3A_439 = arith.addf %parallel_loop3A_396, %parallel_loop3A_438 : vector<16xf32>
          %parallel_loop3A_440 = arith.constant 0.000000e+00 : f32
          %parallel_loop3A_441 = vector.broadcast %parallel_loop3A_440 : f32 to vector<16xf32>
          %parallel_loop3A_442 = arith.select %parallel_loop3A_409, %parallel_loop3A_406, %parallel_loop3A_441 : vector<16xi1>, vector<16xf32>
          %parallel_loop3A_443 = arith.addf %parallel_loop3A_400, %parallel_loop3A_442 : vector<16xf32>
          scf.yield %parallel_loop3A_424, %parallel_loop3A_430, %parallel_loop3A_435, %parallel_loop3A_439, %parallel_loop3A_443 : vector<16xi32>, vector<16xf32>, vector<16xi32>, vector<16xf32>, vector<16xf32>
        } {sc.loop_unroll_factor = 1 : i64, sc.parallel_access}
        %convert_element_type3A_82 = arith.fptosi %parallel_loop3A_81#1 : vector<16xf32> to vector<16xi32>
        %ne3A = arith.cmpi ne, %parallel_loop3A_81#0, %convert_element_type3A_82 : vector<16xi32>
        %ne3A_83 = arith.constant 0 : i32
        %ne3A_84 = vector.broadcast %ne3A_83 : i32 to vector<16xi32>
        %ne3A_85 = arith.cmpi ne, %parallel_loop3A_81#2, %ne3A_84 : vector<16xi32>
        %or3A = arith.ori %ne3A, %ne3A_85 : vector<16xi1>
        %ne3A_86 = arith.cmpf one, %parallel_loop3A_81#3, %parallel_loop3A_81#4 : vector<16xf32>
        %or3A_87 = arith.ori %or3A, %ne3A_86 : vector<16xi1>
        %jit3A = arith.constant 1 : i32
        %jit3A_88 = arith.constant 0 : i32
        %broadcast_in_dim3A_89 = vector.broadcast %jit3A : i32 to vector<16xi32>
        %broadcast_in_dim3A_90 = vector.broadcast %jit3A_88 : i32 to vector<16xi32>
        %select_n3A = arith.select %or3A_87, %broadcast_in_dim3A_89, %broadcast_in_dim3A_90 : vector<16xi1>, vector<16xi32>
        %add3A_91 = arith.addi %scan3A_72, %select_n3A : vector<16xi32>
        scf.yield %add3A_91 : vector<16xi32>
      }
      %scan3A_65 = arith.constant 16 : i32
      %lt3A_66 = arith.constant 1 : i32
      %lt3A_67 = arith.cmpi slt, %scan3A_25, %lt3A_66 : i32
      %convert_element_type3A_68 = arith.extui %lt3A_67 : i1 to i32
      %cond3A_69 = arith.constant 0 : i32
      %cond3A_70 = arith.cmpi ne, %convert_element_type3A_68, %cond3A_69 : i32
      scf.if %cond3A_70 {
        %mul3A_71 = arith.constant 2 : i32
        %mul3A_72 = arith.muli %mul3A_71, %scan3A_25 : i32
        %add3A_73 = arith.constant 3 : i32
        %add3A_74 = arith.addi %mul3A_72, %add3A_73 : i32
        %mul3A_75 = arith.constant 16 : i32
        %mul3A_76 = arith.muli %add3A_74, %mul3A_75 : i32
        %add3A_77 = arith.addi %mul3A_2, %mul3A_76 : i32
        %dma_start3A_78 = arith.constant 0 : i32
        %dma_start3A_79 = tpu.memref_slice %arg2[%add3A_77, %dma_start3A_78] : memref<8192x2048xf32, #tpu.memory_space<hbm>> -> memref<16x2048xf32, #tpu.memory_space<hbm>>
        %dma_start3A_80 = arith.constant 0 : i32
        %dma_start3A_81 = tpu.memref_slice %arg2[%add3A_77, %dma_start3A_80] : memref<8192x2048xf32, #tpu.memory_space<hbm>> -> memref<16x2048xf32, #tpu.memory_space<hbm>>
        tpu.enqueue_dma source(%dma_start3A_81 : memref<16x2048xf32, #tpu.memory_space<hbm>>) target(%arg5 : memref<16x2048xf32, #tpu.memory_space<vmem>>) target_semaphore(%arg8 : memref<!tpu.dma_semaphore, #tpu.memory_space<semaphore_mem>>)
      } else {
      }
      scf.yield %scan3A_64 : vector<16xi32>
    }
    %scan3A_21 = arith.constant 2 : i32
    %swap3A = arith.constant 0 : index
    %swap3A_22 = tpu.vector_load %arg6[%swap3A] {strides = array<i32>} : memref<16xi32, #tpu.memory_space<vmem>>, vector<16xi32>,
    %swap3A_23 = vector.shape_cast %swap3A_22 : vector<16xi32> to vector<16xi32>
    %swap3A_24 = vector.shape_cast %scan3A_20 : vector<16xi32> to vector<16xi32>
    tpu.vector_store %arg6[%swap3A], %swap3A_24 {strides = array<i32>} : memref<16xi32, #tpu.memory_space<vmem>>, vector<16xi32>,
    "tpu.region"() ({
      %run_scoped3A = tpu.sem_alloc : memref<!tpu.dma_semaphore, #tpu.memory_space<semaphore_mem>>
      %dma_start3A_25 = arith.constant 0 : i32
      %dma_start3A_26 = tpu.memref_slice %arg3[%add3A, %dma_start3A_25] : memref<32x16xi32, #tpu.memory_space<hbm>> -> memref<1x16xi32, #tpu.memory_space<hbm>>
      %dma_start3A_27 = tpu.memref_squeeze %dma_start3A_26 : memref<1x16xi32, #tpu.memory_space<hbm>> -> memref<16xi32, #tpu.memory_space<hbm>>
      %dma_start3A_28 = arith.constant 0 : i32
      %dma_start3A_29 = tpu.memref_slice %arg3[%add3A, %dma_start3A_28] : memref<32x16xi32, #tpu.memory_space<hbm>> -> memref<1x16xi32, #tpu.memory_space<hbm>>
      %dma_start3A_30 = tpu.memref_squeeze %dma_start3A_29 : memref<1x16xi32, #tpu.memory_space<hbm>> -> memref<16xi32, #tpu.memory_space<hbm>>
      tpu.enqueue_dma source(%arg6 : memref<16xi32, #tpu.memory_space<vmem>>) target(%dma_start3A_30 : memref<16xi32, #tpu.memory_space<hbm>>) target_semaphore(%run_scoped3A : memref<!tpu.dma_semaphore, #tpu.memory_space<semaphore_mem>>)
      %dma_wait3A = arith.constant 0 : i32
      %dma_wait3A_31 = tpu.memref_slice %arg3[%add3A, %dma_wait3A] : memref<32x16xi32, #tpu.memory_space<hbm>> -> memref<1x16xi32, #tpu.memory_space<hbm>>
      %dma_wait3A_32 = tpu.memref_squeeze %dma_wait3A_31 : memref<1x16xi32, #tpu.memory_space<hbm>> -> memref<16xi32, #tpu.memory_space<hbm>>
      %dma_wait3A_33 = arith.constant 0 : i32
      %dma_wait3A_34 = tpu.memref_slice %arg3[%add3A, %dma_wait3A_33] : memref<32x16xi32, #tpu.memory_space<hbm>> -> memref<1x16xi32, #tpu.memory_space<hbm>>
      %dma_wait3A_35 = tpu.memref_squeeze %dma_wait3A_34 : memref<1x16xi32, #tpu.memory_space<hbm>> -> memref<16xi32, #tpu.memory_space<hbm>>
      tpu.wait_dma2 semaphore(%run_scoped3A : memref<!tpu.dma_semaphore, #tpu.memory_space<semaphore_mem>>) src(%arg6 : memref<16xi32, #tpu.memory_space<vmem>>) dst(%dma_wait3A_35 : memref<16xi32, #tpu.memory_space<hbm>>)
      tpu.yield
    }) : () -> ()
    return
  }
}

module attributes {stable_mosaic.version = 14 : i64} {
  func.func @_csr_check_tc_body(%arg0: i32, %arg1: memref<512x2048xf32, #tpu.memory_space<vmem>>, %arg2: memref<1x1x512xi32, #tpu.memory_space<vmem>>) attributes {dimension_semantics = [#tpu.dimension_semantics<arbitrary>], iteration_bounds = array<i64: 12>, scalar_prefetch = 0 : i64, scratch_operands = 0 : i64, tpu.core_type = #tpu.core_type<tc>, window_params = [{transform_indices = @transform_0, window_bounds = array<i64: 512, 2048>}, {transform_indices = @transform_1, window_bounds = array<i64: 1, 1, 512>}]} {
    %get3A = arith.constant 0 : index
    %get3A_0 = arith.constant 0 : index
    %get3A_1 = vector.load %arg1[%get3A, %get3A_0] : memref<512x2048xf32, #tpu.memory_space<vmem>>, vector<512x2048xf32>
    %gt3A = arith.constant 0.000000e+00 : f32
    %gt3A_2 = vector.broadcast %gt3A : f32 to vector<512x2048xf32>
    %gt3A_3 = arith.cmpf ogt, %get3A_1, %gt3A_2 : vector<512x2048xf32>
    %iota3A = tpu.iota {dimensions = array<i32: 1>} : vector<512x2048xi32>
    %add3A = arith.constant 2048 : i32
    %add3A_4 = vector.broadcast %add3A : i32 to vector<512x2048xi32>
    %add3A_5 = arith.addi %iota3A, %add3A_4 : vector<512x2048xi32>
    %iota3A_6 = tpu.iota {dimensions = array<i32: 0>} : vector<512x2048xi32>
    %mul3A = arith.constant 512 : i32
    %mul3A_7 = arith.muli %arg0, %mul3A : i32
    %add3A_8 = arith.constant 2048 : i32
    %add3A_9 = arith.addi %add3A_8, %mul3A_7 : i32
    %add3A_10 = vector.broadcast %add3A_9 : i32 to vector<512x2048xi32>
    %add3A_11 = arith.addi %iota3A_6, %add3A_10 : vector<512x2048xi32>
    %sub3A = arith.constant 2048 : i32
    %sub3A_12 = vector.broadcast %sub3A : i32 to vector<512x2048xi32>
    %sub3A_13 = arith.subi %add3A_5, %sub3A_12 : vector<512x2048xi32>
    %shift_left3A = arith.constant 11 : i32
    %shift_left3A_14 = vector.broadcast %shift_left3A : i32 to vector<512x2048xi32>
    %shift_left3A_15 = arith.shli %add3A_11, %shift_left3A_14 : vector<512x2048xi32>
    %add3A_16 = arith.addi %sub3A_13, %shift_left3A_15 : vector<512x2048xi32>
    %and3A = arith.constant 2047 : i32
    %and3A_17 = vector.broadcast %and3A : i32 to vector<512x2048xi32>
    %and3A_18 = arith.andi %add3A_16, %and3A_17 : vector<512x2048xi32>
    %add3A_19 = arith.constant 2048 : i32
    %add3A_20 = vector.broadcast %add3A_19 : i32 to vector<512x2048xi32>
    %add3A_21 = arith.addi %and3A_18, %add3A_20 : vector<512x2048xi32>
    %jit3A = arith.constant 0 : i32
    %broadcast_in_dim3A = vector.broadcast %jit3A : i32 to vector<512x2048xi32>
    %select_n3A = arith.select %gt3A_3, %add3A_5, %broadcast_in_dim3A : vector<512x2048xi1>, vector<512x2048xi32>
    %reduce_sum3A = arith.constant dense<0> : vector<512xi32>
    %reduce_sum3A_22 = vector.multi_reduction <add>, %select_n3A, %reduce_sum3A [1] : vector<512x2048xi32> to vector<512xi32>
    %jit3A_23 = arith.constant 0 : i32
    %broadcast_in_dim3A_24 = vector.broadcast %jit3A_23 : i32 to vector<512x2048xi32>
    %select_n3A_25 = arith.select %gt3A_3, %add3A_21, %broadcast_in_dim3A_24 : vector<512x2048xi1>, vector<512x2048xi32>
    %reduce_sum3A_26 = arith.constant dense<0> : vector<512xi32>
    %reduce_sum3A_27 = vector.multi_reduction <add>, %select_n3A_25, %reduce_sum3A_26 [1] : vector<512x2048xi32> to vector<512xi32>
    %max3A = arith.constant 0.000000e+00 : f32
    %max3A_28 = vector.broadcast %max3A : f32 to vector<512x2048xf32>
    %max3A_29 = arith.maximumf %get3A_1, %max3A_28 : vector<512x2048xf32>
    %reduce_sum3A_30 = arith.constant dense<0.000000e+00> : vector<512xf32>
    %reduce_sum3A_31 = vector.multi_reduction <add>, %max3A_29, %reduce_sum3A_30 [1] : vector<512x2048xf32> to vector<512xf32>
    %jit3A_32 = arith.constant 0.000000e+00 : f32
    %broadcast_in_dim3A_33 = vector.broadcast %jit3A_32 : f32 to vector<512x2048xf32>
    %select_n3A_34 = arith.select %gt3A_3, %get3A_1, %broadcast_in_dim3A_33 : vector<512x2048xi1>, vector<512x2048xf32>
    %reduce_sum3A_35 = arith.constant dense<0.000000e+00> : vector<512xf32>
    %reduce_sum3A_36 = vector.multi_reduction <add>, %select_n3A_34, %reduce_sum3A_35 [1] : vector<512x2048xf32> to vector<512xf32>
    %ne3A = arith.cmpi ne, %reduce_sum3A_22, %reduce_sum3A_27 : vector<512xi32>
    %ne3A_37 = arith.cmpf one, %reduce_sum3A_31, %reduce_sum3A_36 : vector<512xf32>
    %or3A = arith.ori %ne3A, %ne3A_37 : vector<512xi1>
    %jit3A_38 = arith.constant 1 : i32
    %jit3A_39 = arith.constant 0 : i32
    %broadcast_in_dim3A_40 = vector.broadcast %jit3A_38 : i32 to vector<512xi32>
    %broadcast_in_dim3A_41 = vector.broadcast %jit3A_39 : i32 to vector<512xi32>
    %select_n3A_42 = arith.select %or3A, %broadcast_in_dim3A_40, %broadcast_in_dim3A_41 : vector<512xi1>, vector<512xi32>
    %reshape3A = vector.shape_cast %select_n3A_42 : vector<512xi32> to vector<1x1x512xi32>
    %swap3A = arith.constant 0 : index
    %swap3A_43 = arith.constant 0 : index
    %swap3A_44 = arith.constant 0 : index
    %swap3A_45 = vector.load %arg2[%swap3A, %swap3A_43, %swap3A_44] : memref<1x1x512xi32, #tpu.memory_space<vmem>>, vector<1x1x512xi32>
    tpu.vector_store %arg2[%swap3A, %swap3A_43, %swap3A_44], %reshape3A {strides = array<i32>} : memref<1x1x512xi32, #tpu.memory_space<vmem>>, vector<1x1x512xi32>,
    return
  }
  func.func @transform_0(%arg0: i32) -> (i32, i32) {
    %add3A = arith.constant 4 : i32
    %add3A_0 = arith.addi %arg0, %add3A : i32
    %c0_i32 = arith.constant 0 : i32
    %c0_i32_1 = arith.constant 0 : i32
    return %add3A_0, %c0_i32 : i32, i32
  }
  func.func @transform_1(%arg0: i32) -> (i32, i32, i32) {
    %c0_i32 = arith.constant 0 : i32
    %c0_i32_0 = arith.constant 0 : i32
    %c0_i32_1 = arith.constant 0 : i32
    return %arg0, %c0_i32, %c0_i32_0 : i32, i32, i32
  }
}

</mosaic_0001>

<sc_bundles>
// kernel: _csr_check.4.cloned.1.call-start
scs
__scs_entry_jumppad:
0x0: {  	(pc) =	sbr.rel $0x88, $3  }
0x1: {  	(tag) =	ssettag $0x0;
	lr =	simm.s32 $0x1  }
0x2: {  	[smem:$0x3FA0] =	sst lr;
	_ =	strace $0xD0000000  }
0x3: {  	_ = 	snop  }
0x4: {  	_ = 	snop  }
0x5: {  	_ = 	snop  }
0x6: {  	_ = 	snop  }
0x7: {  	_ = 	snop  }
__scs_overlays_trampoline_lowered:
0x8: {  	[smem:$0x3FAF] =	sst s0  }
0x9: {  	[smem:$0x3FB0] =	sst s1  }
0xa: {  	[smem:$0x3FB1] =	sst s2  }
0xb: {  	[smem:$0x3FB2] =	sst s3  }
0xc: {  	[smem:$0x3FB3] =	sst s4  }
0xd: {  	[smem:$0x3FB4] =	sst s5  }
0xe: {  	[smem:$0x3FB5] =	sst s6  }
0xf: {  	[smem:$0x3FB6] =	sst s7  }
0x10: {  	[smem:$0x3FB7] =	sst s8  }
0x11: {  	[smem:$0x3FB8] =	sst s9;
	s0 =	simm.s32 @!p0 $0x0  }
0x12: {  	s1 =	sld [smem:$0x3F9E];
	s0 =	simm.s32 @p0 $0x1  }
0x13: {  	[smem:$0x3FB9] =	sst s0;
	s0 =	simm.s32 @!p1 $0x0  }
0x14: {  	s2 =	sld [smem:$0x3F9D];
	s0 =	simm.s32 @p1 $0x1  }
0x15: {  	[smem:$0x3FBA] =	sst s0;
	s0 =	simm.s32 @!p2 $0x0  }
0x16: {  	s3 =	sld [smem:$0x3FDB];
	s0 =	simm.s32 @p2 $0x1  }
0x17: {  	s4 =	simm.s32 $0x1BF5;
	[smem:$0x3FBC] =	sst s0  }
0x18: {  	s0 =	sld [smem:$0x3F9F];
	_ =	swait.ge [sflag:s4], $0x0  }
0x19: {  	s7 =	sld [smem:$0x3FA0]  }
0x1a: {  	s8 =	sadd.s32 $0xFFFFE003, lr  }
0x1b: {  	s9 =	sadd.s32 $0xFFFFFEF7, lr;
	s5 =	simm.s32 $0xFFFFFFFF;
	p2 =	slt.u32 s8, $0xFFFFF086  }
0x1c: {  	p1 =	slt.u32 s9, $0xF7A;
	s5 =	simm.s32 @!p2 $0x0  }
0x1d: {  	s5 =	simm.s32 @p1 $0x1;
	p0 =	seq.s32 s7, s2  }
0x1e: {  	s7 =	smul.u32 @!p0 $0xF7A, s2;
	p2 =	seq.s32 @!p0 s5, $0x0  }
0x1f: {  	s9 =	smul.u32 $0xF7A, s1;
	s8 =	simm.s32 @!p0 $0x1BF5;
	p2 =	por !p2, p0  }
0x20: {  	[sflag:s8] =	ssyncset.s32 @!p0 $0xFFFFF086;
	s6 =	sadd.s32 @!p0 s3, s7;
	s7 =	simm.s32 @!p0 $0x108  }
0x21: {  	s3 =	sadd.s32 s3, s9;
	s6 =	sadd.s32 @!p0 $0x88, s6;
	s7 =	simm.s32 @p2 $0x1082  }
0x22: {  	[simem:s7], [sflag:s8] =	dma.local @!p0 [hbm:s6], $0xF7A  }
0x23: {  	s9 =	sor.u32 $0xD0000000, s2;
	s6 =	simm.s32 $0x108;
	_ =	swait.ge @!p0 [sflag:s8], $0x0  }
0x24: {  	s3 =	sadd.s32 $0x88, s3;
	s6 =	simm.s32 @!p1 $0x1082;
	[sflag:s4] =	ssyncset.s32 $0xFFFFF086  }
0x25: {  	[simem:s6], [sflag:s4] =	dma.local [hbm:s3], $0xF7A  }
0x26: {  	[smem:$0x3FA0] =	sst s1;
	(tag) =	ssettag s2;
	_ =	strace s9  }
0x27: {  	s1 =	sld [smem:$0x3FB0]  }
0x28: {  	s2 =	sld [smem:$0x3FB1]  }
0x29: {  	s4 =	sld [smem:$0x3FB3]  }
0x2a: {  	p0 =	seq.s32 s5, $0x0;
	s5 =	sld [smem:$0x3FB4]  }
0x2b: {  	s6 =	sld [smem:$0x3FB5]  }
0x2c: {  	s7 =	sld [smem:$0x3FB6]  }
0x2d: {  	s3 =	simm.s32 $0x108;
	s8 =	sld [smem:$0x3FB7]  }
0x2e: {  	s3 =	simm.s32 @!p0 $0x1082;
	s9 =	sld [smem:$0x3FB8]  }
0x2f: {  	lr =	sadd.s32 s0, s3;
	s0 =	sld [smem:$0x3FAF]  }
0x30: {  	s3 =	sld [smem:$0x3FB2]  }
0x31: {  	[smem:$0x3FBB] =	sst s10  }
0x32: {  	s10 =	sld [smem:$0x3FB9];
	_ =	sdelay $0x3  }
0x33: {  	p0 =	seq.s32 s10, $0x1;
	s10 =	sld [smem:$0x3FBB];
	_ =	sdelay $0x3  }
0x34: {  	[smem:$0x3FBB] =	sst s10  }
0x35: {  	s10 =	sld [smem:$0x3FBA];
	_ =	sdelay $0x3  }
0x36: {  	p1 =	seq.s32 s10, $0x1;
	s10 =	sld [smem:$0x3FBB];
	_ =	sdelay $0x3  }
0x37: {  	[smem:$0x3FBB] =	sst s10  }
0x38: {  	s10 =	sld [smem:$0x3FBC]  }
0x39: {  	_ = 	snop;
	(pc) =	sbr.ind lr, $3  }
0x3a: {  	_ = 	snop  }
0x3b: {  	_ = 	snop  }
0x3c: {  	p2 =	seq.s32 s10, $0x1;
	s10 =	sld [smem:$0x3FBB]  }
0x3d: {  	_ =	shalt  }
0x3e: {  	_ =	shalt  }
0x3f: {  	_ =	shalt  }
0x40: {  	_ =	shalt  }
0x41: {  	_ =	shalt  }
0x42: {  	_ =	shalt  }
0x43: {  	_ =	shalt  }
0x44: {  	_ =	shalt  }
0x45: {  	_ =	shalt  }
0x46: {  	_ =	shalt  }
0x47: {  	_ =	shalt  }
0x48: {  	_ =	shalt  }
0x49: {  	_ =	shalt  }
0x4a: {  	_ =	shalt  }
0x4b: {  	_ =	shalt  }
0x4c: {  	_ =	shalt  }
0x4d: {  	_ =	shalt  }
0x4e: {  	_ =	shalt  }
0x4f: {  	_ =	shalt  }
0x50: {  	_ =	shalt  }
0x51: {  	_ =	shalt  }
0x52: {  	_ =	shalt  }
0x53: {  	_ =	shalt  }
0x54: {  	_ =	shalt  }
0x55: {  	_ =	shalt  }
0x56: {  	_ =	shalt  }
0x57: {  	_ =	shalt  }
0x58: {  	_ =	shalt  }
0x59: {  	_ =	shalt  }
0x5a: {  	_ =	shalt  }
0x5b: {  	_ =	shalt  }
0x5c: {  	_ =	shalt  }
0x5d: {  	_ =	shalt  }
0x5e: {  	_ =	shalt  }
0x5f: {  	_ =	shalt  }
0x60: {  	_ =	shalt  }
0x61: {  	_ =	shalt  }
0x62: {  	_ =	shalt  }
0x63: {  	_ =	shalt  }
0x64: {  	_ =	shalt  }
0x65: {  	_ =	shalt  }
0x66: {  	_ =	shalt  }
0x67: {  	_ =	shalt  }
0x68: {  	_ =	shalt  }
0x69: {  	_ =	shalt  }
0x6a: {  	_ =	shalt  }
0x6b: {  	_ =	shalt  }
0x6c: {  	_ =	shalt  }
0x6d: {  	_ =	shalt  }
0x6e: {  	_ =	shalt  }
0x6f: {  	_ =	shalt  }
0x70: {  	_ =	shalt  }
0x71: {  	_ =	shalt  }
0x72: {  	_ =	shalt  }
0x73: {  	_ =	shalt  }
0x74: {  	_ =	shalt  }
0x75: {  	_ =	shalt  }
0x76: {  	_ =	shalt  }
0x77: {  	_ =	shalt  }
0x78: {  	_ =	shalt  }
0x79: {  	_ =	shalt  }
0x7a: {  	_ =	shalt  }
0x7b: {  	_ =	shalt  }
0x7c: {  	_ =	shalt  }
0x7d: {  	_ =	shalt  }
0x7e: {  	_ =	shalt  }
0x7f: {  	_ =	shalt  }
0x80: {  	_ =	shalt  }
0x81: {  	_ =	shalt  }
0x82: {  	_ =	shalt  }
0x83: {  	_ =	shalt  }
0x84: {  	_ =	shalt  }
0x85: {  	_ =	shalt  }
0x86: {  	_ =	shalt  }
0x87: {  	_ =	shalt  }
.Lfunc_end0:
.L_simem_size_0:
called_computation_lowered:
.L_overlay_start_0:
0x88: {  	s2 =	sld [smem:$0x3FD9]  }
0x89: {  	s3 =	sld [smem:$0x3FFE];
	_ =	sdelay $0x1  }
0x8a: {  	s1 =	srdreg.scid  }
0x8b: {  	s0 =	sand.u32 $0x1, s1  }
0x8c: {  	s17 =	sshll.u32 s0, $0xA;
	s2 =	sadd.s32 s3, s2  }
0x8d: {  	s2 =	sadd.s32 s2, s17  }
0x8e: {  	[smem:$0x3FC7] =	sst s2  }
0x8f: {  	_ = 	snop  }
0x90: {  	s2 =	sld [smem:$0x3FC9];
	(tm) =	ssettm $0x1  }
0x91: {  	s18 =	sld [smem:$0x3FFB];
	_ =	sdelay $0x3  }
0x92: {  	_ =	strace s18  }
0x93: {  	s3 =	sld [smem:$0x3FFC];
	_ =	sdelay $0x3  }
0x94: {  	_ =	strace s3  }
0x95: {  	s3 =	sld [smem:$0x3FFD];
	_ =	sdelay $0x3  }
0x96: {  	_ =	strace s3  }
0x97: {  	_ =	strace $0x8FFFFFFF  }
0x98: {  	s19 =	sld [smem:$0x3FDB];
	_ =	sdelay $0x1  }
0x99: {  	s4 =	simm.s32 $_scs_section_size  }
0x9a: {  	s5 =	simm.s32 $_size__tile_overlayer_lowered;
	s6 =	simm.s32 $_tile_overlayer_lowered  }
0x9b: {  	s22 =	simm.s32 $0x1BFF;
	s21 =	sshll.u32 s6, $0x1;
	s3 =	sadd.s32 s4, s19  }
0x9c: {  	s7 =	simm.s32 $0x0;
	s20 =	sshll.u32 s5, $0x1;
	s5 =	sadd.s32 s21, s3  }
0x9d: {  	[timem:s7], [sflag:s22] =	dma.local [hbm:s5], s20  }
0x9e: {  	_ =	swait.ge [sflag:s22], s20  }
0x9f: {  	s4 =	ssub.s32 $0x0, s20;
	[sflag:s22] =	ssyncset.done $0x0  }
0xa0: {  	[sflag:s22] =	ssyncadd.s32 s4;
	_ =	sdelay $0x1  }
0xa1: {  	s23 =	simm.s32 $0x1B8B  }
0xa2: {  	_ =	swait.ge [sflag:s23], $0x1  }
0xa3: {  	[sflag:s23] =	ssyncset.done $0x0  }
0xa4: {  	s25 =	simm.s32 $0x1B8E;
	s24 =	sld [smem:$0x3FFE];
	[sflag:s23] =	ssyncadd.s32 $0xFFFFFFFF  }
0xa5: {  	s26 =	simm.s32 $execute0_lowered;
	[smem:$0x3FD2] =	sst s25  }
0xa6: {  	s5 =	sshll.u32 s26, $0x1;
	_ =	strace $0x80000046;
	[dreg:$0x1] =	wrdreg $0xFFFFFFFF  }
0xa7: {  	s28 =	simm.s32 $_size_execute0_lowered;
	s3 =	sadd.s32 s3, s5;
	[dreg:$0x0] =	wrdreg $0x0  }
0xa8: {  	s5 =	sshll.u32 s28, $0x1;
	[dreg:$0x2] =	wrdreg s3  }
0xa9: {  	[dreg:$0x3] =	wrdreg s5  }
0xaa: {  	[dreg:$0x4] =	wrdreg $0xC0  }
0xab: {  	_ =	task [dreg:s7], $0x5FFFF  }
0xac: {  	[dreg:$0x1] =	wrdreg $0xFFFFFFFF  }
0xad: {  	[dreg:$0x0] =	wrdreg $0x60  }
0xae: {  	[dreg:$0x2] =	wrdreg s2  }
0xaf: {  	[dreg:$0x3] =	wrdreg s24  }
0xb0: {  	[dreg:$0x4] =	wrdreg $0x9  }
0xb1: {  	_ =	task.clear_ibuf [dreg:s7], $0x5FFFF;
	_ =	strace $0x90000046  }
0xb2: {  	s29 =	simm.s32 $0x9;
	_ =	strace $0x80000048  }
0xb3: {  	_ =	swait.ge [sflag:s29], $0x1  }
0xb4: {  	[sflag:s29] =	ssyncadd.s32 $0xFFFFFFFF  }
0xb5: {  	_ =	strace $0x90000048  }
0xb6: {  	_ =	sfence  }
0xb7: {  	s30 =	sld [smem:$0x0];
	_ =	sdelay $0x2  }
0xb8: {  	s31 =	sshll.u32 s1, $0xD;
	s1 =	sshrl.u32 s1, $0x2  }
0xb9: {  	s3 =	sand.u32 $0x4000, s31;
	s1 =	sadd.s32 s1, s30  }
0xba: {  	s0 =	sor.u32 s3, s0;
	s1 =	sshll.u32 s1, $0x11  }
0xbb: {  	s0 =	sor.u32 s1, s0  }
0xbc: {  	s0 =	sadd.s32 $0x8F2B, s0  }
0xbd: {  	[sflag:s0] =	ssyncadd.remote.s32 $0x1  }
0xbe: {  	_ =	sfence.sel $0xFFFF  }
0xbf: {  	[dreg:$0x0] =	wrdreg $0xFFFFFFFF;
	(pc) =	sbr.abs _section_cstart, $3  }
0xc0: {  	[dreg:$0x1] =	wrdreg $0xFFFFFFFF  }
0xc1: {  	_ =	task.clear_ibuf [dreg:s7], $0x2FFFF;
	_ =	strace $0x9FFFFFFF  }
0xc2: {  	(tm) =	ssettm $0x7FFFFFFF  }
0xc3: {  	_ =	shalt  }
tec
execute0_lowered:
.L_overlay_start_1:
0x0: {  	(tag) =	ssettag $0x1  }
0x1: {  	s3 =	rddreg [dreg:$0x0]  }
0x2: {  	s7 =	rddreg [dreg:$0x1]  }
0x3: {  	s2 =	srdreg.scid;
	s1 =	stileid.u32  }
0x4: {  	s0 =	rddreg [dreg:$0x2];
	s10 =	simm.s32 $0x1;
	s11 =	simm.s32 $0x2  }
0x5: {  	s12 =	simm.s32 $0x10000;
	s13 =	simm.s32 $0x3;
	s14 =	simm.s32 $0x0  }
0x6: {  	s4 =	sand.u32 $0x1, s2;
	s5 =	sshll.u32 s1, $0x1;
	s2 =	simm.s32 $0x0  }
0x7: {  	s6 =	ssub.s32 $0x2, s4;
	s8 =	sor.u32 s4, s5;
	[smem:$0x7FF] =	sst s2  }
0x8: {  	s31 =	sshrl.u32 s6, $0x1;
	s5 =	sshll.u32 s8, $0xE;
	_ =	strace $0x80000047  }
0x9: {  	s8 =	sshll.u32 s8, $0x4;
	s9 =	ssub.s32 s6, s31;
	s3 =	sadd.s32 s3, s5  }
0xa: {  	s7 =	sadd.s32 s7, s8;
	s4 =	sadd.s32 $0x1000, s3;
	s5 =	sadd.s32 $0x2000, s3  }
0xb: {  	v0 =	vimm.f32 $0.0e+00;
	v1 =	vimm.s32 $0x0;
	s6 =	sadd.s32 $0x3000, s3;
	s8 =	smax.u32 s9, $0x1;
	s9 =	simm.s32 $0x8000  }
.LBB2_1:
0xc: {  	[tilespmem:s2], [sflag:$0x1] =	stream.linear.gather [hbm4b:s3+s2], $0x8000, $0x38;
	[tilespmem:$0x10080] =	vst v63  }
0xd: {  	p1 =	por $0x1, $0x1;
	p0 =	por $0x0, $0x0;
	s15 =	simm.s32 $0x0  }
0xe: {  	v2 =	vimm.s32 $0x0;
	[tilespmem:s9], [sflag:$0x2] =	stream.linear.gather [hbm4b:s4+s2], $0x8000, $0x38;
	[tilespmem:$0x10080] =	vst v63  }
.LBB2_2:
0xf: {  	_ =	swait.ge [sflag:s10], $0x8000  }
0x10: {  	s16 =	simm.s32 $0x0;
	s17 =	simm.s32 $0x0;
	[sflag:s10] =	ssyncset.done $0x0  }
0x11: {  	s18 =	simm.s32 $0x0;
	s19 =	simm.s32 $0x0;
	[sflag:s10] =	ssyncadd.s32 $0xFFFF8000  }
.LBB2_3:
0x12: {  	s20 =	sshll.u32 s18, $0x2;
	s21 =	sand.u32 $0x7, s17  }
0x13: {  	s20 =	sand.u32 $0xFFFF0000, s20;
	s21 =	sshll.u32 s21, $0x9  }
0x14: {  	s20 =	sor.u32 s21, s20  }
0x15: {  	s20 =	sshrl.u32 s20, $0x2  }
0x16: {  	s31 =	sor.u32 $0x40, s20  }
0x17: {  	v6 =	vld [tilespmem:s31+$0xFFFFFFD0]  }
0x18: {  	v7 =	vimm.s32 $0x0;
	v8 =	vmov s16;
	v3 =	vld [tilespmem:s31+$0x30]  }
0x19: {  	v9 =	vimm.f32 $0.0e+00;
	v11 =	vand.u32 $0xFFFFF870, v8;
	v13 =	vand.u32 $0xFFFFF800, v8;
	v4 =	vld [tilespmem:s31+$0x10]  }
0x1a: {  	v14 =	vand.u32 $0xFFFFF860, v8;
	v16 =	vand.u32 $0xFFFFF830, v8;
	v21 =	vand.u32 $0xFFFFF850, v8;
	v5 =	vld [tilespmem:s31+$0xFFFFFFE0]  }
0x1b: {  	v22 =	vand.u32 $0xFFFFF820, v8;
	v11 =	vbroadcast v11, $0x0;
	v13 =	vbroadcast v13, $0x0;
	v10 =	vld [tilespmem:s31+$0xFFFFFFF0]  }
0x1c: {  	v25 =	vand.u32 $0xFFFFF810, v8;
	v14 =	vbroadcast v14, $0x0;
	v21 =	vbroadcast v21, $0x0;
	v15 =	vld [tilespmem:s31+$0xFFFFFFC0]  }
0x1d: {  	v8 =	vand.u32 $0xFFFFF840, v8;
	v22 =	vbroadcast v22, $0x0;
	v16 =	vbroadcast v16, $0x0;
	v26 =	vld [tilespmem:s31+$0x0]  }
0x1e: {  	v25 =	vbroadcast v25, $0x0;
	v8 =	vbroadcast v8, $0x0;
	v12 =	vmax.f32 v6, $0.0e+00  }
0x1f: {  	vm4 =	vgt.f32 v6, $0.0e+00;
	vm0 =	vgt.f32 v3, $0.0e+00;
	vm2 =	vgt.f32 v4, $0.0e+00  }
0x20: {  	vm6 =	vgt.f32 v5, $0.0e+00;
	v18 =	vmax.f32 v5, $0.0e+00;
	vm1 =	vgt.f32 v10, $0.0e+00  }
0x21: {  	vm3 =	vgt.f32 v15, $0.0e+00;
	v30 =	vmax.f32 v10, $0.0e+00;
	v31 =	vmax.f32 v15, $0.0e+00  }
0x22: {  	vm5 =	vgt.f32 v26, $0.0e+00;
	v17 =	vsel vm4, $0x3F800000, v0;
	v19 =	vnsel vm0, $0x0, v13  }
0x23: {  	v13 =	vsel vm6, $0x3F800000, v0;
	v20 =	vnsel vm6, $0x0, v5;
	v23 =	vnsel vm2, $0x0, v4  }
0x24: {  	v24 =	vsel vm2, $0x1, v1;
	v27 =	vnsel vm4, $0x0, v6;
	v28 =	vsel vm6, $0x1, v1  }
0x25: {  	v6 =	vsel vm2, $0x3F800000, v0;
	v29 =	vsel vm3, $0x3F800000, v0;
	v15 =	vnsel vm3, $0x0, v15  }
0x26: {  	v32 =	vsel vm3, $0x1, v1;
	v22 =	vnsel vm2, $0x0, v22;
	v14 =	vnsel vm4, $0x0, v14  }
0x27: {  	v59 =	vnsel vm5, $0x0, v26;
	v33 =	vsel vm4, $0x1, v1;
	v21 =	vnsel vm6, $0x0, v21  }
0x28: {  	v34 =	vsel vm5, $0x3F800000, v0;
	v61 =	vsel vm5, $0x1, v1;
	v26 =	vmax.f32 v26, $0.0e+00  }
0x29: {  	v62 =	vnsel vm1, $0x0, v8;
	v63 =	vsel vm1, $0x1, v1;
	v10 =	vnsel vm1, $0x0, v10  }
0x2a: {  	v5 =	vld [tilespmem:s31+$0x20];
	v11 =	vnsel vm3, $0x0, v11;
	v29 =	vadd.f32 v29, v9;
	v32 =	vadd.s32 v32, v7  }
0x2b: {  	v15 =	vadd.f32 v15, v9;
	v9 =	vadd.f32 v31, v9;
	v7 =	vadd.s32 v7, v11  }
0x2c: {  	v32 =	vadd.s32 v33, v32;
	v7 =	vadd.s32 v14, v7;
	v14 =	vnsel vm5, $0x0, v16  }
0x2d: {  	v17 =	vadd.f32 v17, v29;
	v28 =	vadd.s32 v28, v32;
	v15 =	vadd.f32 v27, v15  }
0x2e: {  	v9 =	vadd.f32 v12, v9;
	v7 =	vadd.s32 v21, v7;
	v27 =	vadd.s32 v63, v28  }
0x2f: {  	v7 =	vadd.s32 v62, v7;
	vm2 =	vgt.f32 v5, $0.0e+00;
	v13 =	vadd.f32 v13, v17  }
0x30: {  	v11 =	vadd.f32 v20, v15;
	v15 =	vsel vm1, $0x3F800000, v0;
	v12 =	vadd.s32 v61, v27  }
0x31: {  	v9 =	vadd.f32 v18, v9;
	v7 =	vadd.s32 v14, v7;
	v60 =	vnsel vm2, $0x0, v25  }
0x32: {  	v35 =	vsel vm2, $0x1, v1;
	v8 =	vsel vm2, $0x3F800000, v0;
	v10 =	vadd.f32 v10, v11  }
0x33: {  	v14 =	vadd.s32 v24, v12;
	v7 =	vadd.s32 v22, v7;
	v13 =	vadd.f32 v15, v13  }
0x34: {  	v9 =	vadd.f32 v30, v9;
	v7 =	vadd.s32 v60, v7;
	v10 =	vadd.f32 v59, v10  }
0x35: {  	v12 =	vnsel vm2, $0x0, v5;
	v7 =	vadd.s32 v19, v7;
	v11 =	vadd.f32 v34, v13  }
0x36: {  	s20 =	simm.s32 $0x80;
	s21 =	sadd.s32 $0x400, s31;
	v13 =	vadd.f32 v26, v9;
	v9 =	vadd.s32 v35, v14;
	v10 =	vadd.f32 v23, v10  }
.LBB2_4:
0x37: {  	v14 =	vld [tilespmem:s21+$0xFFFFFFD0];
	p2 =	sne.s32 s20, $0x780;
	v6 =	vadd.f32 v6, v11;
	v4 =	vmax.f32 v4, $0.0e+00;
	v5 =	vmax.f32 v5, $0.0e+00;
	s22 =	smov.u32 s20;
	s20 =	sadd.s32 $0x80, s20  }
0x38: {  	v10 =	vadd.f32 v12, v10;
	v12 =	vnsel vm0, $0x0, v3;
	v11 =	vld [tilespmem:s21+$0x30];
	v13 =	vadd.f32 v4, v13  }
0x39: {  	v16 =	vmax.f32 v3, $0.0e+00;
	v15 =	vld [tilespmem:s21+$0xFFFFFFE0];
	v6 =	vadd.f32 v8, v6;
	v8 =	vsel vm0, $0x3F800000, v0  }
0x3a: {  	v3 =	vsel vm0, $0x1, v1;
	v10 =	vadd.f32 v12, v10;
	v4 =	vld [tilespmem:s21+$0x10];
	v5 =	vadd.f32 v5, v13  }
0x3b: {  	v9 =	vadd.s32 v3, v9;
	v12 =	vmov s22;
	v13 =	vld [tilespmem:s21+$0xFFFFFFF0];
	v8 =	vadd.f32 v8, v6  }
0x3c: {  	v22 =	vand.u32 $0xFFFFF870, v12;
	v6 =	vand.u32 $0xFFFFF800, v12;
	v17 =	vmax.f32 v14, $0.0e+00;
	v18 =	vld [tilespmem:s21+$0x0]  }
0x3d: {  	v21 =	vand.u32 $0xFFFFF860, v12;
	v20 =	vbroadcast v22, $0x0;
	v6 =	vbroadcast v6, $0x0;
	v19 =	vld [tilespmem:s21+$0xFFFFFFC0];
	v3 =	vmovc v11  }
0x3e: {  	vm4 =	vgt.f32 v14, $0.0e+00;
	v11 =	vand.u32 $0xFFFFF830, v12;
	vm0 =	vgt.f32 v3, $0.0e+00  }
0x3f: {  	v16 =	vadd.f32 v16, v5;
	v22 =	vsel vm4, $0x3F800000, v0;
	vm2 =	vgt.f32 v4, $0.0e+00  }
0x40: {  	vm6 =	vgt.f32 v15, $0.0e+00;
	v23 =	vmax.f32 v15, $0.0e+00;
	v24 =	vnsel vm0, $0x0, v6  }
0x41: {  	v25 =	vsel vm6, $0x3F800000, v0;
	v15 =	vnsel vm6, $0x0, v15;
	vm1 =	vgt.f32 v13, $0.0e+00  }
0x42: {  	v26 =	vand.u32 $0xFFFFF850, v12;
	v27 =	vand.u32 $0xFFFFF820, v12;
	v28 =	vnsel vm2, $0x0, v4  }
0x43: {  	v30 =	vand.u32 $0xFFFFF810, v12;
	v29 =	vsel vm2, $0x1, v1;
	vm3 =	vgt.f32 v19, $0.0e+00;
	v5 =	vld [tilespmem:s21+$0x20]  }
0x44: {  	v14 =	vnsel vm4, $0x0, v14;
	v31 =	vsel vm6, $0x1, v1;
	v6 =	vsel vm2, $0x3F800000, v0  }
0x45: {  	v21 =	vbroadcast v21, $0x0;
	v33 =	vmax.f32 v13, $0.0e+00;
	v32 =	vsel vm3, $0x3F800000, v0  }
0x46: {  	v26 =	vbroadcast v26, $0x0;
	v27 =	vbroadcast v27, $0x0;
	v34 =	vmax.f32 v19, $0.0e+00  }
0x47: {  	v11 =	vbroadcast v11, $0x0;
	v19 =	vnsel vm3, $0x0, v19;
	v8 =	vadd.f32 v32, v8  }
0x48: {  	v27 =	vnsel vm2, $0x0, v27;
	v32 =	vsel vm3, $0x1, v1;
	vm2 =	vgt.f32 v5, $0.0e+00  }
0x49: {  	v30 =	vbroadcast v30, $0x0;
	v12 =	vand.u32 $0xFFFFF840, v12;
	vm5 =	vgt.f32 v18, $0.0e+00  }
0x4a: {  	v21 =	vnsel vm4, $0x0, v21;
	v8 =	vadd.f32 v22, v8;
	v22 =	vnsel vm5, $0x0, v18  }
0x4b: {  	v35 =	vsel vm4, $0x1, v1;
	v26 =	vnsel vm6, $0x0, v26;
	v36 =	vsel vm5, $0x3F800000, v0  }
0x4c: {  	v9 =	vadd.s32 v32, v9;
	v25 =	vadd.f32 v25, v8;
	v30 =	vnsel vm2, $0x0, v30  }
0x4d: {  	v8 =	vbroadcast v12, $0x0;
	v12 =	vsel vm5, $0x1, v1;
	v32 =	vsel vm2, $0x1, v1  }
0x4e: {  	v10 =	vadd.f32 v19, v10;
	v9 =	vadd.s32 v35, v9;
	v18 =	vmax.f32 v18, $0.0e+00  }
0x4f: {  	v9 =	vadd.s32 v31, v9;
	v19 =	vnsel vm1, $0x0, v8;
	v8 =	vsel vm2, $0x3F800000, v0  }
0x50: {  	v13 =	vnsel vm1, $0x0, v13;
	v10 =	vadd.f32 v14, v10;
	v14 =	vsel vm1, $0x1, v1  }
0x51: {  	v20 =	vnsel vm3, $0x0, v20;
	v16 =	vadd.f32 v34, v16;
	v9 =	vadd.s32 v14, v9  }
0x52: {  	v7 =	vadd.s32 v7, v20;
	v10 =	vadd.f32 v15, v10;
	v14 =	vsel vm1, $0x3F800000, v0  }
0x53: {  	v7 =	vadd.s32 v21, v7;
	v15 =	vadd.f32 v17, v16;
	v9 =	vadd.s32 v12, v9  }
0x54: {  	v7 =	vadd.s32 v26, v7;
	v12 =	vadd.f32 v14, v25;
	v10 =	vadd.f32 v13, v10  }
.Ltmp0:
0x55: {  	v13 =	vadd.f32 v23, v15;
	v14 =	vnsel vm5, $0x0, v11;
	v7 =	vadd.s32 v19, v7;
	(pc) =	sbr.rel @p2 .LBB2_4-.Ltmp0, $4  }
0x56: {  	v11 =	vadd.f32 v36, v12;
	v7 =	vadd.s32 v14, v7;
	v10 =	vadd.f32 v22, v10  }
0x57: {  	v9 =	vadd.s32 v29, v9;
	v13 =	vadd.f32 v33, v13;
	v7 =	vadd.s32 v27, v7  }
0x58: {  	v12 =	vnsel vm2, $0x0, v5;
	v10 =	vadd.f32 v28, v10;
	v7 =	vadd.s32 v30, v7  }
0x59: {  	s21 =	sadd.s32 $0x400, s21;
	v9 =	vadd.s32 v32, v9;
	v13 =	vadd.f32 v18, v13;
	v7 =	vadd.s32 v24, v7  }
0x5a: {  	v6 =	vadd.f32 v6, v11;
	_ =	sdelay $0x1  }
0x5b: {  	v4 =	vmax.f32 v4, $0.0e+00;
	v6 =	vadd.f32 v8, v6  }
0x5c: {  	v59 =	vsel vm0, $0x3F800000, v0;
	v4 =	vadd.f32 v4, v13  }
0x5d: {  	v5 =	vmax.f32 v5, $0.0e+00;
	v6 =	vadd.f32 v59, v6  }
0x5e: {  	v60 =	vadd.f32 v12, v10;
	v61 =	vnsel vm0, $0x0, v3;
	v4 =	vadd.f32 v5, v4  }
0x5f: {  	v3 =	vmax.f32 v3, $0.0e+00;
	v63 =	vsel vm0, $0x1, v1;
	v62 =	vtrunc.f32 v6  }
0x60: {  	s19 =	sadd.s32 $0x1, s19;
	v8 =	vadd.f32 v61, v60;
	v3 =	vadd.f32 v3, v4;
	v5 =	vcvt.f32.s32 v62  }
0x61: {  	vm1 =	vne.s32 v7, $0x0;
	p2 =	sne.s32 s19, $0x10;
	v6 =	vadd.s32 v63, v9  }
.Ltmp1:
0x62: {  	vm2 =	vlt.f32 v3, v8;
	vm3 =	vgt.f32 v3, v8;
	vm14 =	vne.s32 v6, v5;
	(pc) =	sbr.rel @p2 .LBB2_3-.Ltmp1, $4  }
0x63: {  	vm15 =	vmor vm3, vm2;
	vm0 =	vmor vm14, vm1  }
0x64: {  	vm0 =	vmor vm0, vm15  }
0x65: {  	v3 =	vsel vm0, $0x1, v1  }
0x66: {  	s18 =	sadd.s32 $0x800, s18;
	s17 =	sadd.s32 $0x1, s17;
	v2 =	vadd.s32 v3, v2  }
0x67: {  	s16 =	simm.s32 @!p0 $0x0  }
0x68: {  	[tilespmem:s16], [sflag:$0x1] =	stream.linear.gather @!p0 [hbm4b:s5+s16], $0x8000, $0x38;
	[tilespmem:$0x10080] =	vst v63  }
0x69: {  	_ =	swait.ge [sflag:s11], $0x8000  }
0x6a: {  	s17 =	simm.s32 $0x0;
	s18 =	simm.s32 $0x0;
	[sflag:s11] =	ssyncset.done $0x0  }
0x6b: {  	s19 =	simm.s32 $0x0;
	s16 =	simm.s32 $0x0;
	[sflag:s11] =	ssyncadd.s32 $0xFFFF8000  }
.LBB2_7:
0x6c: {  	s20 =	sshll.u32 s18, $0x2;
	s21 =	sand.u32 $0x7, s17  }
0x6d: {  	s20 =	sand.u32 $0xFFFF0000, s20;
	s21 =	sshll.u32 s21, $0x9  }
0x6e: {  	s20 =	sor.u32 s21, s20  }
0x6f: {  	s20 =	sshrl.u32 s20, $0x2  }
0x70: {  	s31 =	sadd.s32 $0x8040, s20  }
0x71: {  	v6 =	vld [tilespmem:s31+$0xFFFFFFD0]  }
0x72: {  	v7 =	vimm.s32 $0x0;
	v8 =	vmov s16;
	v3 =	vld [tilespmem:s31+$0x30]  }
0x73: {  	v9 =	vimm.f32 $0.0e+00;
	v11 =	vand.u32 $0xFFFFF870, v8;
	v13 =	vand.u32 $0xFFFFF800, v8;
	v4 =	vld [tilespmem:s31+$0x10]  }
0x74: {  	v14 =	vand.u32 $0xFFFFF860, v8;
	v16 =	vand.u32 $0xFFFFF830, v8;
	v21 =	vand.u32 $0xFFFFF850, v8;
	v5 =	vld [tilespmem:s31+$0xFFFFFFE0]  }
0x75: {  	v22 =	vand.u32 $0xFFFFF820, v8;
	v11 =	vbroadcast v11, $0x0;
	v13 =	vbroadcast v13, $0x0;
	v10 =	vld [tilespmem:s31+$0xFFFFFFF0]  }
0x76: {  	v25 =	vand.u32 $0xFFFFF810, v8;
	v14 =	vbroadcast v14, $0x0;
	v21 =	vbroadcast v21, $0x0;
	v15 =	vld [tilespmem:s31+$0xFFFFFFC0]  }
0x77: {  	v8 =	vand.u32 $0xFFFFF840, v8;
	v22 =	vbroadcast v22, $0x0;
	v16 =	vbroadcast v16, $0x0;
	v26 =	vld [tilespmem:s31+$0x0]  }
0x78: {  	v25 =	vbroadcast v25, $0x0;
	v8 =	vbroadcast v8, $0x0;
	v12 =	vmax.f32 v6, $0.0e+00  }
0x79: {  	vm4 =	vgt.f32 v6, $0.0e+00;
	vm0 =	vgt.f32 v3, $0.0e+00;
	vm2 =	vgt.f32 v4, $0.0e+00  }
0x7a: {  	vm6 =	vgt.f32 v5, $0.0e+00;
	v18 =	vmax.f32 v5, $0.0e+00;
	vm1 =	vgt.f32 v10, $0.0e+00  }
0x7b: {  	vm3 =	vgt.f32 v15, $0.0e+00;
	v30 =	vmax.f32 v10, $0.0e+00;
	v31 =	vmax.f32 v15, $0.0e+00  }
0x7c: {  	vm5 =	vgt.f32 v26, $0.0e+00;
	v17 =	vsel vm4, $0x3F800000, v0;
	v19 =	vnsel vm0, $0x0, v13  }
0x7d: {  	v13 =	vsel vm6, $0x3F800000, v0;
	v20 =	vnsel vm6, $0x0, v5;
	v23 =	vnsel vm2, $0x0, v4  }
0x7e: {  	v24 =	vsel vm2, $0x1, v1;
	v27 =	vnsel vm4, $0x0, v6;
	v28 =	vsel vm6, $0x1, v1  }
0x7f: {  	v6 =	vsel vm2, $0x3F800000, v0;
	v29 =	vsel vm3, $0x3F800000, v0;
	v15 =	vnsel vm3, $0x0, v15  }
0x80: {  	v32 =	vsel vm3, $0x1, v1;
	v22 =	vnsel vm2, $0x0, v22;
	v14 =	vnsel vm4, $0x0, v14  }
0x81: {  	v59 =	vnsel vm5, $0x0, v26;
	v33 =	vsel vm4, $0x1, v1;
	v21 =	vnsel vm6, $0x0, v21  }
0x82: {  	v34 =	vsel vm5, $0x3F800000, v0;
	v61 =	vsel vm5, $0x1, v1;
	v26 =	vmax.f32 v26, $0.0e+00  }
0x83: {  	v62 =	vnsel vm1, $0x0, v8;
	v63 =	vsel vm1, $0x1, v1;
	v10 =	vnsel vm1, $0x0, v10  }
0x84: {  	v5 =	vld [tilespmem:s31+$0x20];
	v11 =	vnsel vm3, $0x0, v11;
	v29 =	vadd.f32 v29, v9;
	v32 =	vadd.s32 v32, v7  }
0x85: {  	v15 =	vadd.f32 v15, v9;
	v9 =	vadd.f32 v31, v9;
	v7 =	vadd.s32 v7, v11  }
0x86: {  	v32 =	vadd.s32 v33, v32;
	v7 =	vadd.s32 v14, v7;
	v14 =	vnsel vm5, $0x0, v16  }
0x87: {  	v17 =	vadd.f32 v17, v29;
	v28 =	vadd.s32 v28, v32;
	v15 =	vadd.f32 v27, v15  }
0x88: {  	v9 =	vadd.f32 v12, v9;
	v7 =	vadd.s32 v21, v7;
	v27 =	vadd.s32 v63, v28  }
0x89: {  	v7 =	vadd.s32 v62, v7;
	vm2 =	vgt.f32 v5, $0.0e+00;
	v13 =	vadd.f32 v13, v17  }
0x8a: {  	v11 =	vadd.f32 v20, v15;
	v15 =	vsel vm1, $0x3F800000, v0;
	v12 =	vadd.s32 v61, v27  }
0x8b: {  	v9 =	vadd.f32 v18, v9;
	v7 =	vadd.s32 v14, v7;
	v60 =	vnsel vm2, $0x0, v25  }
0x8c: {  	v35 =	vsel vm2, $0x1, v1;
	v8 =	vsel vm2, $0x3F800000, v0;
	v10 =	vadd.f32 v10, v11  }
0x8d: {  	v14 =	vadd.s32 v24, v12;
	v7 =	vadd.s32 v22, v7;
	v13 =	vadd.f32 v15, v13  }
0x8e: {  	v9 =	vadd.f32 v30, v9;
	v7 =	vadd.s32 v60, v7;
	v10 =	vadd.f32 v59, v10  }
0x8f: {  	v12 =	vnsel vm2, $0x0, v5;
	v7 =	vadd.s32 v19, v7;
	v11 =	vadd.f32 v34, v13  }
0x90: {  	s20 =	simm.s32 $0x80;
	s21 =	sadd.s32 $0x400, s31;
	v13 =	vadd.f32 v26, v9;
	v9 =	vadd.s32 v35, v14;
	v10 =	vadd.f32 v23, v10  }
.LBB2_8:
0x91: {  	v14 =	vld [tilespmem:s21+$0xFFFFFFD0];
	p2 =	sne.s32 s20, $0x780;
	v6 =	vadd.f32 v6, v11;
	v4 =	vmax.f32 v4, $0.0e+00;
	v5 =	vmax.f32 v5, $0.0e+00;
	s22 =	smov.u32 s20;
	s20 =	sadd.s32 $0x80, s20  }
0x92: {  	v10 =	vadd.f32 v12, v10;
	v12 =	vnsel vm0, $0x0, v3;
	v11 =	vld [tilespmem:s21+$0x30];
	v13 =	vadd.f32 v4, v13  }
0x93: {  	v16 =	vmax.f32 v3, $0.0e+00;
	v15 =	vld [tilespmem:s21+$0xFFFFFFE0];
	v6 =	vadd.f32 v8, v6;
	v8 =	vsel vm0, $0x3F800000, v0  }
0x94: {  	v3 =	vsel vm0, $0x1, v1;
	v10 =	vadd.f32 v12, v10;
	v4 =	vld [tilespmem:s21+$0x10];
	v5 =	vadd.f32 v5, v13  }
0x95: {  	v9 =	vadd.s32 v3, v9;
	v12 =	vmov s22;
	v13 =	vld [tilespmem:s21+$0xFFFFFFF0];
	v8 =	vadd.f32 v8, v6  }
0x96: {  	v22 =	vand.u32 $0xFFFFF870, v12;
	v6 =	vand.u32 $0xFFFFF800, v12;
	v17 =	vmax.f32 v14, $0.0e+00;
	v18 =	vld [tilespmem:s21+$0x0]  }
0x97: {  	v21 =	vand.u32 $0xFFFFF860, v12;
	v20 =	vbroadcast v22, $0x0;
	v6 =	vbroadcast v6, $0x0;
	v19 =	vld [tilespmem:s21+$0xFFFFFFC0];
	v3 =	vmovc v11  }
0x98: {  	vm4 =	vgt.f32 v14, $0.0e+00;
	v11 =	vand.u32 $0xFFFFF830, v12;
	vm0 =	vgt.f32 v3, $0.0e+00  }
0x99: {  	v16 =	vadd.f32 v16, v5;
	v22 =	vsel vm4, $0x3F800000, v0;
	vm2 =	vgt.f32 v4, $0.0e+00  }
0x9a: {  	vm6 =	vgt.f32 v15, $0.0e+00;
	v23 =	vmax.f32 v15, $0.0e+00;
	v24 =	vnsel vm0, $0x0, v6  }
0x9b: {  	v25 =	vsel vm6, $0x3F800000, v0;
	v15 =	vnsel vm6, $0x0, v15;
	vm1 =	vgt.f32 v13, $0.0e+00  }
0x9c: {  	v26 =	vand.u32 $0xFFFFF850, v12;
	v27 =	vand.u32 $0xFFFFF820, v12;
	v28 =	vnsel vm2, $0x0, v4  }
0x9d: {  	v30 =	vand.u32 $0xFFFFF810, v12;
	v29 =	vsel vm2, $0x1, v1;
	vm3 =	vgt.f32 v19, $0.0e+00;
	v5 =	vld [tilespmem:s21+$0x20]  }
0x9e: {  	v14 =	vnsel vm4, $0x0, v14;
	v31 =	vsel vm6, $0x1, v1;
	v6 =	vsel vm2, $0x3F800000, v0  }
0x9f: {  	v21 =	vbroadcast v21, $0x0;
	v33 =	vmax.f32 v13, $0.0e+00;
	v32 =	vsel vm3, $0x3F800000, v0  }
0xa0: {  	v26 =	vbroadcast v26, $0x0;
	v27 =	vbroadcast v27, $0x0;
	v34 =	vmax.f32 v19, $0.0e+00  }
0xa1: {  	v11 =	vbroadcast v11, $0x0;
	v19 =	vnsel vm3, $0x0, v19;
	v8 =	vadd.f32 v32, v8  }
0xa2: {  	v27 =	vnsel vm2, $0x0, v27;
	v32 =	vsel vm3, $0x1, v1;
	vm2 =	vgt.f32 v5, $0.0e+00  }
0xa3: {  	v30 =	vbroadcast v30, $0x0;
	v12 =	vand.u32 $0xFFFFF840, v12;
	vm5 =	vgt.f32 v18, $0.0e+00  }
0xa4: {  	v21 =	vnsel vm4, $0x0, v21;
	v8 =	vadd.f32 v22, v8;
	v22 =	vnsel vm5, $0x0, v18  }
0xa5: {  	v35 =	vsel vm4, $0x1, v1;
	v26 =	vnsel vm6, $0x0, v26;
	v36 =	vsel vm5, $0x3F800000, v0  }
0xa6: {  	v9 =	vadd.s32 v32, v9;
	v25 =	vadd.f32 v25, v8;
	v30 =	vnsel vm2, $0x0, v30  }
0xa7: {  	v8 =	vbroadcast v12, $0x0;
	v12 =	vsel vm5, $0x1, v1;
	v32 =	vsel vm2, $0x1, v1  }
0xa8: {  	v10 =	vadd.f32 v19, v10;
	v9 =	vadd.s32 v35, v9;
	v18 =	vmax.f32 v18, $0.0e+00  }
0xa9: {  	v9 =	vadd.s32 v31, v9;
	v19 =	vnsel vm1, $0x0, v8;
	v8 =	vsel vm2, $0x3F800000, v0  }
0xaa: {  	v13 =	vnsel vm1, $0x0, v13;
	v10 =	vadd.f32 v14, v10;
	v14 =	vsel vm1, $0x1, v1  }
0xab: {  	v20 =	vnsel vm3, $0x0, v20;
	v16 =	vadd.f32 v34, v16;
	v9 =	vadd.s32 v14, v9  }
0xac: {  	v7 =	vadd.s32 v7, v20;
	v10 =	vadd.f32 v15, v10;
	v14 =	vsel vm1, $0x3F800000, v0  }
0xad: {  	v7 =	vadd.s32 v21, v7;
	v15 =	vadd.f32 v17, v16;
	v9 =	vadd.s32 v12, v9  }
0xae: {  	v7 =	vadd.s32 v26, v7;
	v12 =	vadd.f32 v14, v25;
	v10 =	vadd.f32 v13, v10  }
.Ltmp2:
0xaf: {  	v13 =	vadd.f32 v23, v15;
	v14 =	vnsel vm5, $0x0, v11;
	v7 =	vadd.s32 v19, v7;
	(pc) =	sbr.rel @p2 .LBB2_8-.Ltmp2, $4  }
0xb0: {  	v11 =	vadd.f32 v36, v12;
	v7 =	vadd.s32 v14, v7;
	v10 =	vadd.f32 v22, v10  }
0xb1: {  	v9 =	vadd.s32 v29, v9;
	v13 =	vadd.f32 v33, v13;
	v7 =	vadd.s32 v27, v7  }
0xb2: {  	v12 =	vnsel vm2, $0x0, v5;
	v10 =	vadd.f32 v28, v10;
	v7 =	vadd.s32 v30, v7  }
0xb3: {  	s21 =	sadd.s32 $0x400, s21;
	v9 =	vadd.s32 v32, v9;
	v13 =	vadd.f32 v18, v13;
	v7 =	vadd.s32 v24, v7  }
0xb4: {  	v6 =	vadd.f32 v6, v11;
	_ =	sdelay $0x1  }
0xb5: {  	v4 =	vmax.f32 v4, $0.0e+00;
	v6 =	vadd.f32 v8, v6  }
0xb6: {  	v59 =	vsel vm0, $0x3F800000, v0;
	v4 =	vadd.f32 v4, v13  }
0xb7: {  	v5 =	vmax.f32 v5, $0.0e+00;
	v6 =	vadd.f32 v59, v6  }
0xb8: {  	v60 =	vadd.f32 v12, v10;
	v61 =	vnsel vm0, $0x0, v3;
	v4 =	vadd.f32 v5, v4  }
0xb9: {  	v3 =	vmax.f32 v3, $0.0e+00;
	v63 =	vsel vm0, $0x1, v1;
	v62 =	vtrunc.f32 v6  }
0xba: {  	s19 =	sadd.s32 $0x1, s19;
	v8 =	vadd.f32 v61, v60;
	v3 =	vadd.f32 v3, v4;
	v5 =	vcvt.f32.s32 v62  }
0xbb: {  	vm1 =	vne.s32 v7, $0x0;
	p2 =	sne.s32 s19, $0x10;
	v6 =	vadd.s32 v63, v9  }
.Ltmp3:
0xbc: {  	vm2 =	vlt.f32 v3, v8;
	vm3 =	vgt.f32 v3, v8;
	vm14 =	vne.s32 v6, v5;
	(pc) =	sbr.rel @p2 .LBB2_7-.Ltmp3, $4  }
0xbd: {  	vm15 =	vmor vm3, vm2;
	vm0 =	vmor vm14, vm1  }
0xbe: {  	vm0 =	vmor vm0, vm15  }
0xbf: {  	v3 =	vsel vm0, $0x1, v1  }
0xc0: {  	s18 =	sadd.s32 $0x800, s18;
	s17 =	sadd.s32 $0x1, s17;
	v2 =	vadd.s32 v3, v2  }
0xc1: {  	p4 =	por p0, !p1  }
.Ltmp4:
0xc2: {  	_ = 	snop;
	(pc) =	sbr.rel @!p4 .LBB2_2-.Ltmp4, $4  }
0xc3: {  	s15 =	sadd.s32 @!p0 s15, s6;
	s16 =	simm.s32 @!p0 $0x0  }
0xc4: {  	s17 =	simm.s32 @!p0 $0x8000;
	p2 =	por @!p0 $0x0, $0x0;
	p3 =	por @!p0 $0x1, $0x1  }
0xc5: {  	[tilespmem:s17], [sflag:$0x2] =	stream.linear.gather @!p0 [hbm4b:s15+s16], $0x8000, $0x38;
	[tilespmem:$0x10080] =	vst v63  }
0xc6: {  	s15 =	simm.s32 @!p0 $0x2000;
	p0 =	por p3, p3;
	p1 =	por p2, p2  }
0xc7: {  	s14 =	sadd.s32 $0x1, s14  }
0xc8: {  	p0 =	sne.s32 s14, s8  }
.Ltmp5:
0xc9: {  	[tilespmem:$0x10000] =	vst v2;
	(pc) =	sbr.rel @p0 .LBB2_1-.Ltmp5, $4  }
0xca: {  	[hbm4b:s7+s2] =	stream.linear.scatter [tilespmem:s12], [sflag:$0x3], $0x80, $0x38;
	[tilespmem:$0x10080] =	vst v63  }
0xcb: {  	_ =	swait.ge [sflag:s13], $0x80  }
0xcc: {  	[sflag:s13] =	ssyncset.done $0x0  }
0xcd: {  	[sflag:s13] =	ssyncadd.s32 $0xFFFFFF80  }
0xce: {  	_ =	sfence.sel $0x180000  }
0xcf: {  	[bflag:$0x0] =	sbarrier.arrive $0xFFFF  }
0xd0: {  	p0 =	sne.s32 s1, $0x0;
	_ =	strace $0x90000047  }
0xd1: {  	s0 =	sadd.s32 @!p0 $0x100000, s0;
	[bflag:$0x2] =	sbarrier.arrive $0xFFFF  }
0xd2: {  	[sflag:s0] =	ssyncadd.tile.s32 @!p0 $0x1;
	_ =	shalt  }
.Lfunc_end2:
_tile_overlayer_lowered:
.L_overlay_start_2:
0xd3: {  	(tag) =	ssettag $0x2  }
0xd4: {  	s0 =	rddreg [dreg:$0x0];
	s2 =	stileid.u32  }
0xd5: {  	s1 =	rddreg [dreg:$0x1];
	p0 =	sne.s32 s2, $0x0  }
0xd6: {  	s3 =	rddreg [dreg:$0x2];
	[bflag:$0x3] =	sbarrier.arrive $0xFFFF;
	s2 =	simm.s32 @!p0 $0x1C03  }
0xd7: {  	[timem:s3], [sflag:s2] =	dma.local @!p0 [hbm:s0], s1  }
0xd8: {  	s0 =	simm.s32 @!p0 $0x3  }
0xd9: {  	_ =	swait.ge @!p0 [sflag:s0], s1  }
0xda: {  	s1 =	ssub.s32 @!p0 $0x0, s1;
	[sflag:s0] =	ssyncset.done @!p0 $0x0  }
0xdb: {  	[sflag:s0] =	ssyncadd.s32 @!p0 s1  }
0xdc: {  	[bflag:$0x3] =	sbarrier.arrive $0xFFFF  }
0xdd: {  	_ =	shalt  }

</sc_bundles>
